<compile_context>
chip_gen: v7x
topology: tpu7x:2x2x1
jax: 0.10.2.dev20260603
libtpu: 0.0.44.dev20260713+nightly
codegen_flags: <defaults>
</compile_context>

<pallas_src>
import functools

import jax
import jax.numpy as jnp
from jax import lax
from jax.experimental import pallas as pl
from jax.experimental.pallas import tpu as pltpu
from jax.experimental.pallas import tpu_sc as plsc

_NC = 2
_NS = 16
_NW = _NC * _NS


@functools.partial(jax.jit, static_argnums=(2, 3))
def _gather(weight, idx_flat, S, chunk):
    N = idx_flat.shape[0]
    D = weight.shape[1]
    R = N // S
    per_w = R // _NW
    n_chunks = per_w // chunk
    assert n_chunks % 2 == 0 and n_chunks * chunk * _NW == R
    mesh = plsc.VectorSubcoreMesh(core_axis_name="c", subcore_axis_name="s")

    @functools.partial(
        pl.kernel,
        mesh=mesh,
        out_type=jax.ShapeDtypeStruct((R, S, D), jnp.float32),
        scratch_types=[
            pltpu.VMEM((2, chunk * S), jnp.int32),
            pltpu.VMEM((2, chunk * S, D), jnp.float32),
            pltpu.SemaphoreType.DMA((2,)),
            pltpu.SemaphoreType.DMA((2,)),
            pltpu.SemaphoreType.DMA((2,)),
        ],
        compiler_params=pltpu.CompilerParams(use_tc_tiling_on_sc=False),
    )
    def k(table_hbm, idx_hbm, out_hbm, idx_v, rows_v, sem_i, sem_g, sem_s):
        wid = lax.axis_index("s") * _NC + lax.axis_index("c")
        base = wid * per_w

        def idx_copy(c, b):
            return pltpu.make_async_copy(
                idx_hbm.at[pl.ds((base + c * chunk) * S, chunk * S)],
                idx_v.at[b], sem_i.at[b])

        def gather_copy(b):
            return pltpu.make_async_copy(
                table_hbm.at[idx_v.at[b]], rows_v.at[b], sem_g.at[b])

        def store_copy(c, b):
            def one(r):
                return pltpu.make_async_copy(
                    rows_v.at[b, pl.ds(r * S, S)],
                    out_hbm.at[base + c * chunk + r], sem_s.at[b])
            return one

        def store_start(c, b):
            lax.fori_loop(0, chunk, lambda r, _: (store_copy(c, b)(r).start(), 0)[1], 0)

        def store_wait(c, b):
            lax.fori_loop(0, chunk, lambda r, _: (store_copy(c, b)(r).wait(), 0)[1], 0)

        idx_copy(0, 0).start()
        idx_copy(1, 1).start()
        idx_copy(0, 0).wait()
        gather_copy(0).start()

        def body(i, carry):
            for b in range(2):
                c = 2 * i + b

                @pl.when(c >= 1)
                def _wait_prev_store():
                    store_wait(c - 1, 1 - b)

                @pl.when(c + 1 < n_chunks)
                def _launch_next_gather():
                    idx_copy(c + 1, 1 - b).wait()
                    gather_copy(1 - b).start()

                gather_copy(b).wait()
                store_start(c, b)

                @pl.when(c + 2 < n_chunks)
                def _prefetch_idx():
                    idx_copy(c + 2, b).start()
            return carry

        lax.fori_loop(0, n_chunks // 2, body, 0)
        store_wait(n_chunks - 1, 1)

    return k(weight, idx_flat)


def kernel(idx, weight):
    R, S = idx.shape
    idx_flat = idx.astype(jnp.int32).reshape(R * S)
    return _gather(weight, idx_flat, S, 32)

# --- scband reference (transcript-rebuilt; emitter-appended) ---
"""Pipeline reference for scband-func-embedding-45329084842065 (READ-ONLY COPY).

The authoritative reference and input builder live on the scoring server;
editing this copy changes nothing except your own understanding.
"""

import jax, jax.numpy as jnp
import numpy as np

CORPUS_SIZE = 1000000
EMBED_SIZE = 32

def setup_inputs(seed: int = 0) -> dict:
    key = jax.random.key(seed)
    k_idx, k_w = jax.random.split(key)
    idx = jax.random.randint(k_idx, (16384, 50), 0, CORPUS_SIZE, dtype=jnp.int64 if jax.config.jax_enable_x64 else jnp.int32)
    bound = 0.5 / EMBED_SIZE
    weight = jax.random.uniform(k_w, (CORPUS_SIZE, EMBED_SIZE), dtype=jnp.float32, minval=-bound, maxval=bound)
    return {"idx": idx, "weight": weight}

def reference(idx, weight):
    # FuncEmbedding.forward: embedding lookup idx2vec(idx)
    return jnp.take(weight, idx, axis=0)

if __name__ == "__main__":
    import jax
    _d = setup_inputs()
    print(jax.jit(kernel)(*tuple(_d.values())))

</pallas_src>

<mosaic_0001>
#map = affine_map<(d0, d1) -> (0, 0)>
#map1 = affine_map<(d0, d1) -> (0)>
#map2 = affine_map<(d0, d1) -> (0, 0, 0)>
module attributes {stable_mosaic.version = 14 : i64} {
  func.func @k(%arg0: i32, %arg1: i32, %arg2: memref<1000000x32xf32, #tpu.memory_space<hbm>>, %arg3: memref<819200xi32, #tpu.memory_space<hbm>>, %arg4: memref<16384x50x32xf32, #tpu.memory_space<hbm>>, %arg5: memref<2x1600xi32, #tpu.memory_space<vmem>>, %arg6: memref<2x1600x32xf32, #tpu.memory_space<vmem>>, %arg7: memref<2x!tpu.dma_semaphore, #tpu.memory_space<semaphore_mem>>, %arg8: memref<2x!tpu.dma_semaphore, #tpu.memory_space<semaphore_mem>>, %arg9: memref<2x!tpu.dma_semaphore, #tpu.memory_space<semaphore_mem>>) attributes {dimension_semantics = [#tpu.dimension_semantics<core_parallel>, #tpu.dimension_semantics<subcore_parallel>], iteration_bounds = array<i64: 2, 16>, scalar_prefetch = 0 : i64, scratch_operands = 5 : i64, tpu.core_type = #tpu.core_type<sc_vector_subcore>, window_params = [{transform_indices = #map}, {transform_indices = #map1}, {transform_indices = #map2}]} {
    %mul3A = arith.constant 2 : i32
    %mul3A_0 = arith.muli %arg1, %mul3A : i32
    %add3A = arith.addi %mul3A_0, %arg0 : i32
    %mul3A_1 = arith.constant 512 : i32
    %mul3A_2 = arith.muli %add3A, %mul3A_1 : i32
    %add3A_3 = arith.constant 0 : i32
    %add3A_4 = arith.addi %mul3A_2, %add3A_3 : i32
    %mul3A_5 = arith.constant 50 : i32
    %mul3A_6 = arith.muli %add3A_4, %mul3A_5 : i32
    %dma_start3A = arith.constant 0 : i32
    %dma_start3A_7 = arith.constant 0 : i32
    %dma_start3A_8 = arith.constant 0 : i32
    %dma_start3A_9 = tpu.memref_slice %arg5[%dma_start3A, %dma_start3A_8] : memref<2x1600xi32, #tpu.memory_space<vmem>> -> memref<1x1600xi32, #tpu.memory_space<vmem>>
    %dma_start3A_10 = tpu.memref_squeeze %dma_start3A_9 : memref<1x1600xi32, #tpu.memory_space<vmem>> -> memref<1600xi32, #tpu.memory_space<vmem>>
    %dma_start3A_11 = tpu.memref_slice %arg3[%mul3A_6] : memref<819200xi32, #tpu.memory_space<hbm>> -> memref<1600xi32, #tpu.memory_space<hbm>>
    %dma_start3A_12 = tpu.memref_slice %arg7[%dma_start3A_7] : memref<2x!tpu.dma_semaphore, #tpu.memory_space<semaphore_mem>> -> memref<1x!tpu.dma_semaphore, #tpu.memory_space<semaphore_mem>>
    %dma_start3A_13 = tpu.memref_squeeze %dma_start3A_12 : memref<1x!tpu.dma_semaphore, #tpu.memory_space<semaphore_mem>> -> memref<!tpu.dma_semaphore, #tpu.memory_space<semaphore_mem>>
    %dma_start3A_14 = arith.constant 0 : i32
    %dma_start3A_15 = tpu.memref_slice %arg5[%dma_start3A, %dma_start3A_14] : memref<2x1600xi32, #tpu.memory_space<vmem>> -> memref<1x1600xi32, #tpu.memory_space<vmem>>
    %dma_start3A_16 = tpu.memref_squeeze %dma_start3A_15 : memref<1x1600xi32, #tpu.memory_space<vmem>> -> memref<1600xi32, #tpu.memory_space<vmem>>
    %dma_start3A_17 = tpu.memref_slice %arg3[%mul3A_6] : memref<819200xi32, #tpu.memory_space<hbm>> -> memref<1600xi32, #tpu.memory_space<hbm>>
    tpu.enqueue_dma source(%dma_start3A_17 : memref<1600xi32, #tpu.memory_space<hbm>>) target(%dma_start3A_16 : memref<1600xi32, #tpu.memory_space<vmem>>) target_semaphore(%dma_start3A_13 : memref<!tpu.dma_semaphore, #tpu.memory_space<semaphore_mem>>)
    %add3A_18 = arith.constant 32 : i32
    %add3A_19 = arith.addi %mul3A_2, %add3A_18 : i32
    %mul3A_20 = arith.constant 50 : i32
    %mul3A_21 = arith.muli %add3A_19, %mul3A_20 : i32
    %dma_start3A_22 = arith.constant 1 : i32
    %dma_start3A_23 = arith.constant 1 : i32
    %dma_start3A_24 = arith.constant 0 : i32
    %dma_start3A_25 = tpu.memref_slice %arg5[%dma_start3A_22, %dma_start3A_24] : memref<2x1600xi32, #tpu.memory_space<vmem>> -> memref<1x1600xi32, #tpu.memory_space<vmem>>
    %dma_start3A_26 = tpu.memref_squeeze %dma_start3A_25 : memref<1x1600xi32, #tpu.memory_space<vmem>> -> memref<1600xi32, #tpu.memory_space<vmem>>
    %dma_start3A_27 = tpu.memref_slice %arg3[%mul3A_21] : memref<819200xi32, #tpu.memory_space<hbm>> -> memref<1600xi32, #tpu.memory_space<hbm>>
    %dma_start3A_28 = tpu.memref_slice %arg7[%dma_start3A_23] : memref<2x!tpu.dma_semaphore, #tpu.memory_space<semaphore_mem>> -> memref<1x!tpu.dma_semaphore, #tpu.memory_space<semaphore_mem>>
    %dma_start3A_29 = tpu.memref_squeeze %dma_start3A_28 : memref<1x!tpu.dma_semaphore, #tpu.memory_space<semaphore_mem>> -> memref<!tpu.dma_semaphore, #tpu.memory_space<semaphore_mem>>
    %dma_start3A_30 = arith.constant 0 : i32
    %dma_start3A_31 = tpu.memref_slice %arg5[%dma_start3A_22, %dma_start3A_30] : memref<2x1600xi32, #tpu.memory_space<vmem>> -> memref<1x1600xi32, #tpu.memory_space<vmem>>
    %dma_start3A_32 = tpu.memref_squeeze %dma_start3A_31 : memref<1x1600xi32, #tpu.memory_space<vmem>> -> memref<1600xi32, #tpu.memory_space<vmem>>
    %dma_start3A_33 = tpu.memref_slice %arg3[%mul3A_21] : memref<819200xi32, #tpu.memory_space<hbm>> -> memref<1600xi32, #tpu.memory_space<hbm>>
    tpu.enqueue_dma source(%dma_start3A_33 : memref<1600xi32, #tpu.memory_space<hbm>>) target(%dma_start3A_32 : memref<1600xi32, #tpu.memory_space<vmem>>) target_semaphore(%dma_start3A_29 : memref<!tpu.dma_semaphore, #tpu.memory_space<semaphore_mem>>)
    %add3A_34 = arith.constant 0 : i32
    %add3A_35 = arith.addi %mul3A_2, %add3A_34 : i32
    %mul3A_36 = arith.constant 50 : i32
    %mul3A_37 = arith.muli %add3A_35, %mul3A_36 : i32
    %dma_wait3A = arith.constant 0 : i32
    %dma_wait3A_38 = arith.constant 0 : i32
    %dma_wait3A_39 = arith.constant 0 : i32
    %dma_wait3A_40 = tpu.memref_slice %arg5[%dma_wait3A, %dma_wait3A_39] : memref<2x1600xi32, #tpu.memory_space<vmem>> -> memref<1x1600xi32, #tpu.memory_space<vmem>>
    %dma_wait3A_41 = tpu.memref_squeeze %dma_wait3A_40 : memref<1x1600xi32, #tpu.memory_space<vmem>> -> memref<1600xi32, #tpu.memory_space<vmem>>
    %dma_wait3A_42 = tpu.memref_slice %arg3[%mul3A_37] : memref<819200xi32, #tpu.memory_space<hbm>> -> memref<1600xi32, #tpu.memory_space<hbm>>
    %dma_wait3A_43 = tpu.memref_slice %arg7[%dma_wait3A_38] : memref<2x!tpu.dma_semaphore, #tpu.memory_space<semaphore_mem>> -> memref<1x!tpu.dma_semaphore, #tpu.memory_space<semaphore_mem>>
    %dma_wait3A_44 = tpu.memref_squeeze %dma_wait3A_43 : memref<1x!tpu.dma_semaphore, #tpu.memory_space<semaphore_mem>> -> memref<!tpu.dma_semaphore, #tpu.memory_space<semaphore_mem>>
    %dma_wait3A_45 = arith.constant 0 : i32
    %dma_wait3A_46 = tpu.memref_slice %arg5[%dma_wait3A, %dma_wait3A_45] : memref<2x1600xi32, #tpu.memory_space<vmem>> -> memref<1x1600xi32, #tpu.memory_space<vmem>>
    %dma_wait3A_47 = tpu.memref_squeeze %dma_wait3A_46 : memref<1x1600xi32, #tpu.memory_space<vmem>> -> memref<1600xi32, #tpu.memory_space<vmem>>
    %dma_wait3A_48 = tpu.memref_slice %arg3[%mul3A_37] : memref<819200xi32, #tpu.memory_space<hbm>> -> memref<1600xi32, #tpu.memory_space<hbm>>
    tpu.wait_dma2 semaphore(%dma_wait3A_44 : memref<!tpu.dma_semaphore, #tpu.memory_space<semaphore_mem>>) src(%dma_wait3A_48 : memref<1600xi32, #tpu.memory_space<hbm>>) dst(%dma_wait3A_47 : memref<1600xi32, #tpu.memory_space<vmem>>)
    %dma_start3A_49 = arith.constant 0 : i32
    %dma_start3A_50 = arith.constant 0 : i32
    %dma_start3A_51 = arith.constant 0 : i32
    %dma_start3A_52 = arith.constant 0 : i32
    %dma_start3A_53 = arith.constant 0 : i32
    %dma_start3A_54 = tpu.memref_slice %arg6[%dma_start3A_50, %dma_start3A_52, %dma_start3A_53] : memref<2x1600x32xf32, #tpu.memory_space<vmem>> -> memref<1x1600x32xf32, #tpu.memory_space<vmem>>
    %dma_start3A_55 = tpu.memref_squeeze %dma_start3A_54 : memref<1x1600x32xf32, #tpu.memory_space<vmem>> -> memref<1600x32xf32, #tpu.memory_space<vmem>>
    %dma_start3A_56 = arith.constant 0 : i32
    %dma_start3A_57 = tpu.memref_slice %arg5[%dma_start3A_49, %dma_start3A_56] : memref<2x1600xi32, #tpu.memory_space<vmem>> -> memref<1x1600xi32, #tpu.memory_space<vmem>>
    %dma_start3A_58 = tpu.memref_squeeze %dma_start3A_57 : memref<1x1600xi32, #tpu.memory_space<vmem>> -> memref<1600xi32, #tpu.memory_space<vmem>>
    %dma_start3A_59 = arith.constant 0 : i32
    %dma_start3A_60 = arith.constant 0 : i32
    %dma_start3A_61 = tpu.memref_slice %arg2[%dma_start3A_59, %dma_start3A_60] : memref<1000000x32xf32, #tpu.memory_space<hbm>> -> memref<1000000x32xf32, #tpu.memory_space<hbm>>
    %dma_start3A_62 = tpu.memref_slice %arg8[%dma_start3A_51] : memref<2x!tpu.dma_semaphore, #tpu.memory_space<semaphore_mem>> -> memref<1x!tpu.dma_semaphore, #tpu.memory_space<semaphore_mem>>
    %dma_start3A_63 = tpu.memref_squeeze %dma_start3A_62 : memref<1x!tpu.dma_semaphore, #tpu.memory_space<semaphore_mem>> -> memref<!tpu.dma_semaphore, #tpu.memory_space<semaphore_mem>>
    tpu.enqueue_indirect_dma source(%dma_start3A_61 : memref<1000000x32xf32, #tpu.memory_space<hbm>>) target(%dma_start3A_55 : memref<1600x32xf32, #tpu.memory_space<vmem>>) offsets(%dma_start3A_58 : memref<1600xi32, #tpu.memory_space<vmem>>) semaphore(%dma_start3A_63 : memref<!tpu.dma_semaphore, #tpu.memory_space<semaphore_mem>>)
    %scan3A = arith.constant 0 : i32
    %scan3A_64 = arith.constant 0 : i32
    %scan3A_65 = arith.constant 8 : i32
    %scan3A_66 = arith.addi %scan3A_64, %scan3A_65 : i32
    %scan3A_67 = arith.constant 1 : i32
    scf.for %scan3A_76 = %scan3A_64 to %scan3A_66 step %scan3A_67  : i32 {
      %mul3A_77 = arith.constant 2 : i32
      %mul3A_78 = arith.muli %mul3A_77, %scan3A_76 : i32
      %add3A_79 = arith.constant 0 : i32
      %add3A_80 = arith.addi %mul3A_78, %add3A_79 : i32
      %ge3A = arith.constant 1 : i32
      %ge3A_81 = arith.cmpi sge, %add3A_80, %ge3A : i32
      %convert_element_type3A = arith.extui %ge3A_81 : i1 to i32
      %cond3A = arith.constant 0 : i32
      %cond3A_82 = arith.cmpi ne, %convert_element_type3A, %cond3A : i32
      scf.if %cond3A_82 {
        %sub3A = arith.constant 1 : i32
        %sub3A_163 = arith.subi %add3A_80, %sub3A : i32
        %scan3A_164 = arith.constant 0 : i32
        %scan3A_165 = arith.constant 0 : i32
        %scan3A_166 = arith.constant 32 : i32
        %scan3A_167 = arith.addi %scan3A_165, %scan3A_166 : i32
        %scan3A_168 = arith.constant 1 : i32
        %scan3A_169 = scf.for %scan3A_171 = %scan3A_165 to %scan3A_167 step %scan3A_168 iter_args(%scan3A_172 = %scan3A_164) -> (i32)  : i32 {
          %mul3A_173 = arith.constant 50 : i32
          %mul3A_174 = arith.muli %scan3A_171, %mul3A_173 : i32
          %mul3A_175 = arith.constant 32 : i32
          %mul3A_176 = arith.muli %sub3A_163, %mul3A_175 : i32
          %add3A_177 = arith.addi %mul3A_2, %mul3A_176 : i32
          %add3A_178 = arith.addi %add3A_177, %scan3A_171 : i32
          %dma_wait3A_179 = arith.constant 1 : i32
          %dma_wait3A_180 = arith.constant 1 : i32
          %dma_wait3A_181 = arith.constant 0 : i32
          %dma_wait3A_182 = tpu.memref_slice %arg6[%dma_wait3A_179, %mul3A_174, %dma_wait3A_181] : memref<2x1600x32xf32, #tpu.memory_space<vmem>> -> memref<1x50x32xf32, #tpu.memory_space<vmem>>
          %dma_wait3A_183 = tpu.memref_squeeze %dma_wait3A_182 : memref<1x50x32xf32, #tpu.memory_space<vmem>> -> memref<50x32xf32, #tpu.memory_space<vmem>>
          %dma_wait3A_184 = arith.constant 0 : i32
          %dma_wait3A_185 = arith.constant 0 : i32
          %dma_wait3A_186 = tpu.memref_slice %arg4[%add3A_178, %dma_wait3A_184, %dma_wait3A_185] : memref<16384x50x32xf32, #tpu.memory_space<hbm>> -> memref<1x50x32xf32, #tpu.memory_space<hbm>>
          %dma_wait3A_187 = tpu.memref_squeeze %dma_wait3A_186 : memref<1x50x32xf32, #tpu.memory_space<hbm>> -> memref<50x32xf32, #tpu.memory_space<hbm>>
          %dma_wait3A_188 = tpu.memref_slice %arg9[%dma_wait3A_180] : memref<2x!tpu.dma_semaphore, #tpu.memory_space<semaphore_mem>> -> memref<1x!tpu.dma_semaphore, #tpu.memory_space<semaphore_mem>>
          %dma_wait3A_189 = tpu.memref_squeeze %dma_wait3A_188 : memref<1x!tpu.dma_semaphore, #tpu.memory_space<semaphore_mem>> -> memref<!tpu.dma_semaphore, #tpu.memory_space<semaphore_mem>>
          %dma_wait3A_190 = arith.constant 0 : i32
          %dma_wait3A_191 = arith.constant 0 : i32
          %dma_wait3A_192 = tpu.memref_slice %arg4[%add3A_178, %dma_wait3A_190, %dma_wait3A_191] : memref<16384x50x32xf32, #tpu.memory_space<hbm>> -> memref<1x50x32xf32, #tpu.memory_space<hbm>>
          %dma_wait3A_193 = tpu.memref_squeeze %dma_wait3A_192 : memref<1x50x32xf32, #tpu.memory_space<hbm>> -> memref<50x32xf32, #tpu.memory_space<hbm>>
          %dma_wait3A_194 = arith.constant 0 : i32
          %dma_wait3A_195 = tpu.memref_slice %arg6[%dma_wait3A_179, %mul3A_174, %dma_wait3A_194] : memref<2x1600x32xf32, #tpu.memory_space<vmem>> -> memref<1x50x32xf32, #tpu.memory_space<vmem>>
          %dma_wait3A_196 = tpu.memref_squeeze %dma_wait3A_195 : memref<1x50x32xf32, #tpu.memory_space<vmem>> -> memref<50x32xf32, #tpu.memory_space<vmem>>
          tpu.wait_dma2 semaphore(%dma_wait3A_189 : memref<!tpu.dma_semaphore, #tpu.memory_space<semaphore_mem>>) src(%dma_wait3A_196 : memref<50x32xf32, #tpu.memory_space<vmem>>) dst(%dma_wait3A_193 : memref<50x32xf32, #tpu.memory_space<hbm>>)
          %scan3A_197 = arith.constant 0 : i32
          scf.yield %scan3A_197 : i32
        }
        %scan3A_170 = arith.constant 32 : i32
      } else {
      }
      %add3A_83 = arith.constant 1 : i32
      %add3A_84 = arith.addi %add3A_80, %add3A_83 : i32
      %lt3A = arith.constant 16 : i32
      %lt3A_85 = arith.cmpi slt, %add3A_84, %lt3A : i32
      %convert_element_type3A_86 = arith.extui %lt3A_85 : i1 to i32
      %cond3A_87 = arith.constant 0 : i32
      %cond3A_88 = arith.cmpi ne, %convert_element_type3A_86, %cond3A_87 : i32
      scf.if %cond3A_88 {
        %add3A_163 = arith.constant 1 : i32
        %add3A_164 = arith.addi %add3A_80, %add3A_163 : i32
        %mul3A_165 = arith.constant 32 : i32
        %mul3A_166 = arith.muli %add3A_164, %mul3A_165 : i32
        %add3A_167 = arith.addi %mul3A_2, %mul3A_166 : i32
        %mul3A_168 = arith.constant 50 : i32
        %mul3A_169 = arith.muli %add3A_167, %mul3A_168 : i32
        %dma_wait3A_170 = arith.constant 1 : i32
        %dma_wait3A_171 = arith.constant 1 : i32
        %dma_wait3A_172 = arith.constant 0 : i32
        %dma_wait3A_173 = tpu.memref_slice %arg5[%dma_wait3A_170, %dma_wait3A_172] : memref<2x1600xi32, #tpu.memory_space<vmem>> -> memref<1x1600xi32, #tpu.memory_space<vmem>>
        %dma_wait3A_174 = tpu.memref_squeeze %dma_wait3A_173 : memref<1x1600xi32, #tpu.memory_space<vmem>> -> memref<1600xi32, #tpu.memory_space<vmem>>
        %dma_wait3A_175 = tpu.memref_slice %arg3[%mul3A_169] : memref<819200xi32, #tpu.memory_space<hbm>> -> memref<1600xi32, #tpu.memory_space<hbm>>
        %dma_wait3A_176 = tpu.memref_slice %arg7[%dma_wait3A_171] : memref<2x!tpu.dma_semaphore, #tpu.memory_space<semaphore_mem>> -> memref<1x!tpu.dma_semaphore, #tpu.memory_space<semaphore_mem>>
        %dma_wait3A_177 = tpu.memref_squeeze %dma_wait3A_176 : memref<1x!tpu.dma_semaphore, #tpu.memory_space<semaphore_mem>> -> memref<!tpu.dma_semaphore, #tpu.memory_space<semaphore_mem>>
        %dma_wait3A_178 = arith.constant 0 : i32
        %dma_wait3A_179 = tpu.memref_slice %arg5[%dma_wait3A_170, %dma_wait3A_178] : memref<2x1600xi32, #tpu.memory_space<vmem>> -> memref<1x1600xi32, #tpu.memory_space<vmem>>
        %dma_wait3A_180 = tpu.memref_squeeze %dma_wait3A_179 : memref<1x1600xi32, #tpu.memory_space<vmem>> -> memref<1600xi32, #tpu.memory_space<vmem>>
        %dma_wait3A_181 = tpu.memref_slice %arg3[%mul3A_169] : memref<819200xi32, #tpu.memory_space<hbm>> -> memref<1600xi32, #tpu.memory_space<hbm>>
        tpu.wait_dma2 semaphore(%dma_wait3A_177 : memref<!tpu.dma_semaphore, #tpu.memory_space<semaphore_mem>>) src(%dma_wait3A_181 : memref<1600xi32, #tpu.memory_space<hbm>>) dst(%dma_wait3A_180 : memref<1600xi32, #tpu.memory_space<vmem>>)
        %dma_start3A_182 = arith.constant 1 : i32
        %dma_start3A_183 = arith.constant 1 : i32
        %dma_start3A_184 = arith.constant 1 : i32
        %dma_start3A_185 = arith.constant 0 : i32
        %dma_start3A_186 = arith.constant 0 : i32
        %dma_start3A_187 = tpu.memref_slice %arg6[%dma_start3A_183, %dma_start3A_185, %dma_start3A_186] : memref<2x1600x32xf32, #tpu.memory_space<vmem>> -> memref<1x1600x32xf32, #tpu.memory_space<vmem>>
        %dma_start3A_188 = tpu.memref_squeeze %dma_start3A_187 : memref<1x1600x32xf32, #tpu.memory_space<vmem>> -> memref<1600x32xf32, #tpu.memory_space<vmem>>
        %dma_start3A_189 = arith.constant 0 : i32
        %dma_start3A_190 = tpu.memref_slice %arg5[%dma_start3A_182, %dma_start3A_189] : memref<2x1600xi32, #tpu.memory_space<vmem>> -> memref<1x1600xi32, #tpu.memory_space<vmem>>
        %dma_start3A_191 = tpu.memref_squeeze %dma_start3A_190 : memref<1x1600xi32, #tpu.memory_space<vmem>> -> memref<1600xi32, #tpu.memory_space<vmem>>
        %dma_start3A_192 = arith.constant 0 : i32
        %dma_start3A_193 = arith.constant 0 : i32
        %dma_start3A_194 = tpu.memref_slice %arg2[%dma_start3A_192, %dma_start3A_193] : memref<1000000x32xf32, #tpu.memory_space<hbm>> -> memref<1000000x32xf32, #tpu.memory_space<hbm>>
        %dma_start3A_195 = tpu.memref_slice %arg8[%dma_start3A_184] : memref<2x!tpu.dma_semaphore, #tpu.memory_space<semaphore_mem>> -> memref<1x!tpu.dma_semaphore, #tpu.memory_space<semaphore_mem>>
        %dma_start3A_196 = tpu.memref_squeeze %dma_start3A_195 : memref<1x!tpu.dma_semaphore, #tpu.memory_space<semaphore_mem>> -> memref<!tpu.dma_semaphore, #tpu.memory_space<semaphore_mem>>
        tpu.enqueue_indirect_dma source(%dma_start3A_194 : memref<1000000x32xf32, #tpu.memory_space<hbm>>) target(%dma_start3A_188 : memref<1600x32xf32, #tpu.memory_space<vmem>>) offsets(%dma_start3A_191 : memref<1600xi32, #tpu.memory_space<vmem>>) semaphore(%dma_start3A_196 : memref<!tpu.dma_semaphore, #tpu.memory_space<semaphore_mem>>)
      } else {
      }
      %dma_wait3A_89 = arith.constant 0 : i32
      %dma_wait3A_90 = arith.constant 0 : i32
      %dma_wait3A_91 = arith.constant 0 : i32
      %dma_wait3A_92 = arith.constant 0 : i32
      %dma_wait3A_93 = arith.constant 0 : i32
      %dma_wait3A_94 = tpu.memref_slice %arg6[%dma_wait3A_90, %dma_wait3A_92, %dma_wait3A_93] : memref<2x1600x32xf32, #tpu.memory_space<vmem>> -> memref<1x1600x32xf32, #tpu.memory_space<vmem>>
      %dma_wait3A_95 = tpu.memref_squeeze %dma_wait3A_94 : memref<1x1600x32xf32, #tpu.memory_space<vmem>> -> memref<1600x32xf32, #tpu.memory_space<vmem>>
      %dma_wait3A_96 = arith.constant 0 : i32
      %dma_wait3A_97 = tpu.memref_slice %arg5[%dma_wait3A_89, %dma_wait3A_96] : memref<2x1600xi32, #tpu.memory_space<vmem>> -> memref<1x1600xi32, #tpu.memory_space<vmem>>
      %dma_wait3A_98 = tpu.memref_squeeze %dma_wait3A_97 : memref<1x1600xi32, #tpu.memory_space<vmem>> -> memref<1600xi32, #tpu.memory_space<vmem>>
      %dma_wait3A_99 = arith.constant 0 : i32
      %dma_wait3A_100 = arith.constant 0 : i32
      %dma_wait3A_101 = tpu.memref_slice %arg2[%dma_wait3A_99, %dma_wait3A_100] : memref<1000000x32xf32, #tpu.memory_space<hbm>> -> memref<1000000x32xf32, #tpu.memory_space<hbm>>
      %dma_wait3A_102 = tpu.memref_slice %arg8[%dma_wait3A_91] : memref<2x!tpu.dma_semaphore, #tpu.memory_space<semaphore_mem>> -> memref<1x!tpu.dma_semaphore, #tpu.memory_space<semaphore_mem>>
      %dma_wait3A_103 = tpu.memref_squeeze %dma_wait3A_102 : memref<1x!tpu.dma_semaphore, #tpu.memory_space<semaphore_mem>> -> memref<!tpu.dma_semaphore, #tpu.memory_space<semaphore_mem>>
      tpu.wait_indirect_dma semaphore(%dma_wait3A_103 : memref<!tpu.dma_semaphore, #tpu.memory_space<semaphore_mem>>) src(%dma_wait3A_101 : memref<1000000x32xf32, #tpu.memory_space<hbm>>) dst(%dma_wait3A_95 : memref<1600x32xf32, #tpu.memory_space<vmem>>)
      %scan3A_104 = arith.constant 0 : i32
      %scan3A_105 = arith.constant 0 : i32
      %scan3A_106 = arith.constant 32 : i32
      %scan3A_107 = arith.addi %scan3A_105, %scan3A_106 : i32
      %scan3A_108 = arith.constant 1 : i32
      %scan3A_109 = scf.for %scan3A_163 = %scan3A_105 to %scan3A_107 step %scan3A_108 iter_args(%scan3A_164 = %scan3A_104) -> (i32)  : i32 {
        %mul3A_165 = arith.constant 50 : i32
        %mul3A_166 = arith.muli %scan3A_163, %mul3A_165 : i32
        %mul3A_167 = arith.constant 32 : i32
        %mul3A_168 = arith.muli %add3A_80, %mul3A_167 : i32
        %add3A_169 = arith.addi %mul3A_2, %mul3A_168 : i32
        %add3A_170 = arith.addi %add3A_169, %scan3A_163 : i32
        %dma_start3A_171 = arith.constant 0 : i32
        %dma_start3A_172 = arith.constant 0 : i32
        %dma_start3A_173 = arith.constant 0 : i32
        %dma_start3A_174 = tpu.memref_slice %arg6[%dma_start3A_171, %mul3A_166, %dma_start3A_173] : memref<2x1600x32xf32, #tpu.memory_space<vmem>> -> memref<1x50x32xf32, #tpu.memory_space<vmem>>
        %dma_start3A_175 = tpu.memref_squeeze %dma_start3A_174 : memref<1x50x32xf32, #tpu.memory_space<vmem>> -> memref<50x32xf32, #tpu.memory_space<vmem>>
        %dma_start3A_176 = arith.constant 0 : i32
        %dma_start3A_177 = arith.constant 0 : i32
        %dma_start3A_178 = tpu.memref_slice %arg4[%add3A_170, %dma_start3A_176, %dma_start3A_177] : memref<16384x50x32xf32, #tpu.memory_space<hbm>> -> memref<1x50x32xf32, #tpu.memory_space<hbm>>
        %dma_start3A_179 = tpu.memref_squeeze %dma_start3A_178 : memref<1x50x32xf32, #tpu.memory_space<hbm>> -> memref<50x32xf32, #tpu.memory_space<hbm>>
        %dma_start3A_180 = tpu.memref_slice %arg9[%dma_start3A_172] : memref<2x!tpu.dma_semaphore, #tpu.memory_space<semaphore_mem>> -> memref<1x!tpu.dma_semaphore, #tpu.memory_space<semaphore_mem>>
        %dma_start3A_181 = tpu.memref_squeeze %dma_start3A_180 : memref<1x!tpu.dma_semaphore, #tpu.memory_space<semaphore_mem>> -> memref<!tpu.dma_semaphore, #tpu.memory_space<semaphore_mem>>
        %dma_start3A_182 = arith.constant 0 : i32
        %dma_start3A_183 = arith.constant 0 : i32
        %dma_start3A_184 = tpu.memref_slice %arg4[%add3A_170, %dma_start3A_182, %dma_start3A_183] : memref<16384x50x32xf32, #tpu.memory_space<hbm>> -> memref<1x50x32xf32, #tpu.memory_space<hbm>>
        %dma_start3A_185 = tpu.memref_squeeze %dma_start3A_184 : memref<1x50x32xf32, #tpu.memory_space<hbm>> -> memref<50x32xf32, #tpu.memory_space<hbm>>
        %dma_start3A_186 = arith.constant 0 : i32
        %dma_start3A_187 = tpu.memref_slice %arg6[%dma_start3A_171, %mul3A_166, %dma_start3A_186] : memref<2x1600x32xf32, #tpu.memory_space<vmem>> -> memref<1x50x32xf32, #tpu.memory_space<vmem>>
        %dma_start3A_188 = tpu.memref_squeeze %dma_start3A_187 : memref<1x50x32xf32, #tpu.memory_space<vmem>> -> memref<50x32xf32, #tpu.memory_space<vmem>>
        tpu.enqueue_dma source(%dma_start3A_188 : memref<50x32xf32, #tpu.memory_space<vmem>>) target(%dma_start3A_185 : memref<50x32xf32, #tpu.memory_space<hbm>>) target_semaphore(%dma_start3A_181 : memref<!tpu.dma_semaphore, #tpu.memory_space<semaphore_mem>>)
        %scan3A_189 = arith.constant 0 : i32
        scf.yield %scan3A_189 : i32
      }
      %scan3A_110 = arith.constant 32 : i32
      %add3A_111 = arith.constant 2 : i32
      %add3A_112 = arith.addi %add3A_80, %add3A_111 : i32
      %lt3A_113 = arith.constant 16 : i32
      %lt3A_114 = arith.cmpi slt, %add3A_112, %lt3A_113 : i32
      %convert_element_type3A_115 = arith.extui %lt3A_114 : i1 to i32
      %cond3A_116 = arith.constant 0 : i32
      %cond3A_117 = arith.cmpi ne, %convert_element_type3A_115, %cond3A_116 : i32
      scf.if %cond3A_117 {
        %add3A_163 = arith.constant 2 : i32
        %add3A_164 = arith.addi %add3A_80, %add3A_163 : i32
        %mul3A_165 = arith.constant 32 : i32
        %mul3A_166 = arith.muli %add3A_164, %mul3A_165 : i32
        %add3A_167 = arith.addi %mul3A_2, %mul3A_166 : i32
        %mul3A_168 = arith.constant 50 : i32
        %mul3A_169 = arith.muli %add3A_167, %mul3A_168 : i32
        %dma_start3A_170 = arith.constant 0 : i32
        %dma_start3A_171 = arith.constant 0 : i32
        %dma_start3A_172 = arith.constant 0 : i32
        %dma_start3A_173 = tpu.memref_slice %arg5[%dma_start3A_170, %dma_start3A_172] : memref<2x1600xi32, #tpu.memory_space<vmem>> -> memref<1x1600xi32, #tpu.memory_space<vmem>>
        %dma_start3A_174 = tpu.memref_squeeze %dma_start3A_173 : memref<1x1600xi32, #tpu.memory_space<vmem>> -> memref<1600xi32, #tpu.memory_space<vmem>>
        %dma_start3A_175 = tpu.memref_slice %arg3[%mul3A_169] : memref<819200xi32, #tpu.memory_space<hbm>> -> memref<1600xi32, #tpu.memory_space<hbm>>
        %dma_start3A_176 = tpu.memref_slice %arg7[%dma_start3A_171] : memref<2x!tpu.dma_semaphore, #tpu.memory_space<semaphore_mem>> -> memref<1x!tpu.dma_semaphore, #tpu.memory_space<semaphore_mem>>
        %dma_start3A_177 = tpu.memref_squeeze %dma_start3A_176 : memref<1x!tpu.dma_semaphore, #tpu.memory_space<semaphore_mem>> -> memref<!tpu.dma_semaphore, #tpu.memory_space<semaphore_mem>>
        %dma_start3A_178 = arith.constant 0 : i32
        %dma_start3A_179 = tpu.memref_slice %arg5[%dma_start3A_170, %dma_start3A_178] : memref<2x1600xi32, #tpu.memory_space<vmem>> -> memref<1x1600xi32, #tpu.memory_space<vmem>>
        %dma_start3A_180 = tpu.memref_squeeze %dma_start3A_179 : memref<1x1600xi32, #tpu.memory_space<vmem>> -> memref<1600xi32, #tpu.memory_space<vmem>>
        %dma_start3A_181 = tpu.memref_slice %arg3[%mul3A_169] : memref<819200xi32, #tpu.memory_space<hbm>> -> memref<1600xi32, #tpu.memory_space<hbm>>
        tpu.enqueue_dma source(%dma_start3A_181 : memref<1600xi32, #tpu.memory_space<hbm>>) target(%dma_start3A_180 : memref<1600xi32, #tpu.memory_space<vmem>>) target_semaphore(%dma_start3A_177 : memref<!tpu.dma_semaphore, #tpu.memory_space<semaphore_mem>>)
      } else {
      }
      %mul3A_118 = arith.constant 2 : i32
      %mul3A_119 = arith.muli %mul3A_118, %scan3A_76 : i32
      %add3A_120 = arith.constant 1 : i32
      %add3A_121 = arith.addi %mul3A_119, %add3A_120 : i32
      %ge3A_122 = arith.constant 1 : i32
      %ge3A_123 = arith.cmpi sge, %add3A_121, %ge3A_122 : i32
      %convert_element_type3A_124 = arith.extui %ge3A_123 : i1 to i32
      %cond3A_125 = arith.constant 0 : i32
      %cond3A_126 = arith.cmpi ne, %convert_element_type3A_124, %cond3A_125 : i32
      scf.if %cond3A_126 {
        %sub3A = arith.constant 1 : i32
        %sub3A_163 = arith.subi %add3A_121, %sub3A : i32
        %scan3A_164 = arith.constant 0 : i32
        %scan3A_165 = arith.constant 0 : i32
        %scan3A_166 = arith.constant 32 : i32
        %scan3A_167 = arith.addi %scan3A_165, %scan3A_166 : i32
        %scan3A_168 = arith.constant 1 : i32
        %scan3A_169 = scf.for %scan3A_171 = %scan3A_165 to %scan3A_167 step %scan3A_168 iter_args(%scan3A_172 = %scan3A_164) -> (i32)  : i32 {
          %mul3A_173 = arith.constant 50 : i32
          %mul3A_174 = arith.muli %scan3A_171, %mul3A_173 : i32
          %mul3A_175 = arith.constant 32 : i32
          %mul3A_176 = arith.muli %sub3A_163, %mul3A_175 : i32
          %add3A_177 = arith.addi %mul3A_2, %mul3A_176 : i32
          %add3A_178 = arith.addi %add3A_177, %scan3A_171 : i32
          %dma_wait3A_179 = arith.constant 0 : i32
          %dma_wait3A_180 = arith.constant 0 : i32
          %dma_wait3A_181 = arith.constant 0 : i32
          %dma_wait3A_182 = tpu.memref_slice %arg6[%dma_wait3A_179, %mul3A_174, %dma_wait3A_181] : memref<2x1600x32xf32, #tpu.memory_space<vmem>> -> memref<1x50x32xf32, #tpu.memory_space<vmem>>
          %dma_wait3A_183 = tpu.memref_squeeze %dma_wait3A_182 : memref<1x50x32xf32, #tpu.memory_space<vmem>> -> memref<50x32xf32, #tpu.memory_space<vmem>>
          %dma_wait3A_184 = arith.constant 0 : i32
          %dma_wait3A_185 = arith.constant 0 : i32
          %dma_wait3A_186 = tpu.memref_slice %arg4[%add3A_178, %dma_wait3A_184, %dma_wait3A_185] : memref<16384x50x32xf32, #tpu.memory_space<hbm>> -> memref<1x50x32xf32, #tpu.memory_space<hbm>>
          %dma_wait3A_187 = tpu.memref_squeeze %dma_wait3A_186 : memref<1x50x32xf32, #tpu.memory_space<hbm>> -> memref<50x32xf32, #tpu.memory_space<hbm>>
          %dma_wait3A_188 = tpu.memref_slice %arg9[%dma_wait3A_180] : memref<2x!tpu.dma_semaphore, #tpu.memory_space<semaphore_mem>> -> memref<1x!tpu.dma_semaphore, #tpu.memory_space<semaphore_mem>>
          %dma_wait3A_189 = tpu.memref_squeeze %dma_wait3A_188 : memref<1x!tpu.dma_semaphore, #tpu.memory_space<semaphore_mem>> -> memref<!tpu.dma_semaphore, #tpu.memory_space<semaphore_mem>>
          %dma_wait3A_190 = arith.constant 0 : i32
          %dma_wait3A_191 = arith.constant 0 : i32
          %dma_wait3A_192 = tpu.memref_slice %arg4[%add3A_178, %dma_wait3A_190, %dma_wait3A_191] : memref<16384x50x32xf32, #tpu.memory_space<hbm>> -> memref<1x50x32xf32, #tpu.memory_space<hbm>>
          %dma_wait3A_193 = tpu.memref_squeeze %dma_wait3A_192 : memref<1x50x32xf32, #tpu.memory_space<hbm>> -> memref<50x32xf32, #tpu.memory_space<hbm>>
          %dma_wait3A_194 = arith.constant 0 : i32
          %dma_wait3A_195 = tpu.memref_slice %arg6[%dma_wait3A_179, %mul3A_174, %dma_wait3A_194] : memref<2x1600x32xf32, #tpu.memory_space<vmem>> -> memref<1x50x32xf32, #tpu.memory_space<vmem>>
          %dma_wait3A_196 = tpu.memref_squeeze %dma_wait3A_195 : memref<1x50x32xf32, #tpu.memory_space<vmem>> -> memref<50x32xf32, #tpu.memory_space<vmem>>
          tpu.wait_dma2 semaphore(%dma_wait3A_189 : memref<!tpu.dma_semaphore, #tpu.memory_space<semaphore_mem>>) src(%dma_wait3A_196 : memref<50x32xf32, #tpu.memory_space<vmem>>) dst(%dma_wait3A_193 : memref<50x32xf32, #tpu.memory_space<hbm>>)
          %scan3A_197 = arith.constant 0 : i32
          scf.yield %scan3A_197 : i32
        }
        %scan3A_170 = arith.constant 32 : i32
      } else {
      }
      %add3A_127 = arith.constant 1 : i32
      %add3A_128 = arith.addi %add3A_121, %add3A_127 : i32
      %lt3A_129 = arith.constant 16 : i32
      %lt3A_130 = arith.cmpi slt, %add3A_128, %lt3A_129 : i32
      %convert_element_type3A_131 = arith.extui %lt3A_130 : i1 to i32
      %cond3A_132 = arith.constant 0 : i32
      %cond3A_133 = arith.cmpi ne, %convert_element_type3A_131, %cond3A_132 : i32
      scf.if %cond3A_133 {
        %add3A_163 = arith.constant 1 : i32
        %add3A_164 = arith.addi %add3A_121, %add3A_163 : i32
        %mul3A_165 = arith.constant 32 : i32
        %mul3A_166 = arith.muli %add3A_164, %mul3A_165 : i32
        %add3A_167 = arith.addi %mul3A_2, %mul3A_166 : i32
        %mul3A_168 = arith.constant 50 : i32
        %mul3A_169 = arith.muli %add3A_167, %mul3A_168 : i32
        %dma_wait3A_170 = arith.constant 0 : i32
        %dma_wait3A_171 = arith.constant 0 : i32
        %dma_wait3A_172 = arith.constant 0 : i32
        %dma_wait3A_173 = tpu.memref_slice %arg5[%dma_wait3A_170, %dma_wait3A_172] : memref<2x1600xi32, #tpu.memory_space<vmem>> -> memref<1x1600xi32, #tpu.memory_space<vmem>>
        %dma_wait3A_174 = tpu.memref_squeeze %dma_wait3A_173 : memref<1x1600xi32, #tpu.memory_space<vmem>> -> memref<1600xi32, #tpu.memory_space<vmem>>
        %dma_wait3A_175 = tpu.memref_slice %arg3[%mul3A_169] : memref<819200xi32, #tpu.memory_space<hbm>> -> memref<1600xi32, #tpu.memory_space<hbm>>
        %dma_wait3A_176 = tpu.memref_slice %arg7[%dma_wait3A_171] : memref<2x!tpu.dma_semaphore, #tpu.memory_space<semaphore_mem>> -> memref<1x!tpu.dma_semaphore, #tpu.memory_space<semaphore_mem>>
        %dma_wait3A_177 = tpu.memref_squeeze %dma_wait3A_176 : memref<1x!tpu.dma_semaphore, #tpu.memory_space<semaphore_mem>> -> memref<!tpu.dma_semaphore, #tpu.memory_space<semaphore_mem>>
        %dma_wait3A_178 = arith.constant 0 : i32
        %dma_wait3A_179 = tpu.memref_slice %arg5[%dma_wait3A_170, %dma_wait3A_178] : memref<2x1600xi32, #tpu.memory_space<vmem>> -> memref<1x1600xi32, #tpu.memory_space<vmem>>
        %dma_wait3A_180 = tpu.memref_squeeze %dma_wait3A_179 : memref<1x1600xi32, #tpu.memory_space<vmem>> -> memref<1600xi32, #tpu.memory_space<vmem>>
        %dma_wait3A_181 = tpu.memref_slice %arg3[%mul3A_169] : memref<819200xi32, #tpu.memory_space<hbm>> -> memref<1600xi32, #tpu.memory_space<hbm>>
        tpu.wait_dma2 semaphore(%dma_wait3A_177 : memref<!tpu.dma_semaphore, #tpu.memory_space<semaphore_mem>>) src(%dma_wait3A_181 : memref<1600xi32, #tpu.memory_space<hbm>>) dst(%dma_wait3A_180 : memref<1600xi32, #tpu.memory_space<vmem>>)
        %dma_start3A_182 = arith.constant 0 : i32
        %dma_start3A_183 = arith.constant 0 : i32
        %dma_start3A_184 = arith.constant 0 : i32
        %dma_start3A_185 = arith.constant 0 : i32
        %dma_start3A_186 = arith.constant 0 : i32
        %dma_start3A_187 = tpu.memref_slice %arg6[%dma_start3A_183, %dma_start3A_185, %dma_start3A_186] : memref<2x1600x32xf32, #tpu.memory_space<vmem>> -> memref<1x1600x32xf32, #tpu.memory_space<vmem>>
        %dma_start3A_188 = tpu.memref_squeeze %dma_start3A_187 : memref<1x1600x32xf32, #tpu.memory_space<vmem>> -> memref<1600x32xf32, #tpu.memory_space<vmem>>
        %dma_start3A_189 = arith.constant 0 : i32
        %dma_start3A_190 = tpu.memref_slice %arg5[%dma_start3A_182, %dma_start3A_189] : memref<2x1600xi32, #tpu.memory_space<vmem>> -> memref<1x1600xi32, #tpu.memory_space<vmem>>
        %dma_start3A_191 = tpu.memref_squeeze %dma_start3A_190 : memref<1x1600xi32, #tpu.memory_space<vmem>> -> memref<1600xi32, #tpu.memory_space<vmem>>
        %dma_start3A_192 = arith.constant 0 : i32
        %dma_start3A_193 = arith.constant 0 : i32
        %dma_start3A_194 = tpu.memref_slice %arg2[%dma_start3A_192, %dma_start3A_193] : memref<1000000x32xf32, #tpu.memory_space<hbm>> -> memref<1000000x32xf32, #tpu.memory_space<hbm>>
        %dma_start3A_195 = tpu.memref_slice %arg8[%dma_start3A_184] : memref<2x!tpu.dma_semaphore, #tpu.memory_space<semaphore_mem>> -> memref<1x!tpu.dma_semaphore, #tpu.memory_space<semaphore_mem>>
        %dma_start3A_196 = tpu.memref_squeeze %dma_start3A_195 : memref<1x!tpu.dma_semaphore, #tpu.memory_space<semaphore_mem>> -> memref<!tpu.dma_semaphore, #tpu.memory_space<semaphore_mem>>
        tpu.enqueue_indirect_dma source(%dma_start3A_194 : memref<1000000x32xf32, #tpu.memory_space<hbm>>) target(%dma_start3A_188 : memref<1600x32xf32, #tpu.memory_space<vmem>>) offsets(%dma_start3A_191 : memref<1600xi32, #tpu.memory_space<vmem>>) semaphore(%dma_start3A_196 : memref<!tpu.dma_semaphore, #tpu.memory_space<semaphore_mem>>)
      } else {
      }
      %dma_wait3A_134 = arith.constant 1 : i32
      %dma_wait3A_135 = arith.constant 1 : i32
      %dma_wait3A_136 = arith.constant 1 : i32
      %dma_wait3A_137 = arith.constant 0 : i32
      %dma_wait3A_138 = arith.constant 0 : i32
      %dma_wait3A_139 = tpu.memref_slice %arg6[%dma_wait3A_135, %dma_wait3A_137, %dma_wait3A_138] : memref<2x1600x32xf32, #tpu.memory_space<vmem>> -> memref<1x1600x32xf32, #tpu.memory_space<vmem>>
      %dma_wait3A_140 = tpu.memref_squeeze %dma_wait3A_139 : memref<1x1600x32xf32, #tpu.memory_space<vmem>> -> memref<1600x32xf32, #tpu.memory_space<vmem>>
      %dma_wait3A_141 = arith.constant 0 : i32
      %dma_wait3A_142 = tpu.memref_slice %arg5[%dma_wait3A_134, %dma_wait3A_141] : memref<2x1600xi32, #tpu.memory_space<vmem>> -> memref<1x1600xi32, #tpu.memory_space<vmem>>
      %dma_wait3A_143 = tpu.memref_squeeze %dma_wait3A_142 : memref<1x1600xi32, #tpu.memory_space<vmem>> -> memref<1600xi32, #tpu.memory_space<vmem>>
      %dma_wait3A_144 = arith.constant 0 : i32
      %dma_wait3A_145 = arith.constant 0 : i32
      %dma_wait3A_146 = tpu.memref_slice %arg2[%dma_wait3A_144, %dma_wait3A_145] : memref<1000000x32xf32, #tpu.memory_space<hbm>> -> memref<1000000x32xf32, #tpu.memory_space<hbm>>
      %dma_wait3A_147 = tpu.memref_slice %arg8[%dma_wait3A_136] : memref<2x!tpu.dma_semaphore, #tpu.memory_space<semaphore_mem>> -> memref<1x!tpu.dma_semaphore, #tpu.memory_space<semaphore_mem>>
      %dma_wait3A_148 = tpu.memref_squeeze %dma_wait3A_147 : memref<1x!tpu.dma_semaphore, #tpu.memory_space<semaphore_mem>> -> memref<!tpu.dma_semaphore, #tpu.memory_space<semaphore_mem>>
      tpu.wait_indirect_dma semaphore(%dma_wait3A_148 : memref<!tpu.dma_semaphore, #tpu.memory_space<semaphore_mem>>) src(%dma_wait3A_146 : memref<1000000x32xf32, #tpu.memory_space<hbm>>) dst(%dma_wait3A_140 : memref<1600x32xf32, #tpu.memory_space<vmem>>)
      %scan3A_149 = arith.constant 0 : i32
      %scan3A_150 = arith.constant 0 : i32
      %scan3A_151 = arith.constant 32 : i32
      %scan3A_152 = arith.addi %scan3A_150, %scan3A_151 : i32
      %scan3A_153 = arith.constant 1 : i32
      %scan3A_154 = scf.for %scan3A_163 = %scan3A_150 to %scan3A_152 step %scan3A_153 iter_args(%scan3A_164 = %scan3A_149) -> (i32)  : i32 {
        %mul3A_165 = arith.constant 50 : i32
        %mul3A_166 = arith.muli %scan3A_163, %mul3A_165 : i32
        %mul3A_167 = arith.constant 32 : i32
        %mul3A_168 = arith.muli %add3A_121, %mul3A_167 : i32
        %add3A_169 = arith.addi %mul3A_2, %mul3A_168 : i32
        %add3A_170 = arith.addi %add3A_169, %scan3A_163 : i32
        %dma_start3A_171 = arith.constant 1 : i32
        %dma_start3A_172 = arith.constant 1 : i32
        %dma_start3A_173 = arith.constant 0 : i32
        %dma_start3A_174 = tpu.memref_slice %arg6[%dma_start3A_171, %mul3A_166, %dma_start3A_173] : memref<2x1600x32xf32, #tpu.memory_space<vmem>> -> memref<1x50x32xf32, #tpu.memory_space<vmem>>
        %dma_start3A_175 = tpu.memref_squeeze %dma_start3A_174 : memref<1x50x32xf32, #tpu.memory_space<vmem>> -> memref<50x32xf32, #tpu.memory_space<vmem>>
        %dma_start3A_176 = arith.constant 0 : i32
        %dma_start3A_177 = arith.constant 0 : i32
        %dma_start3A_178 = tpu.memref_slice %arg4[%add3A_170, %dma_start3A_176, %dma_start3A_177] : memref<16384x50x32xf32, #tpu.memory_space<hbm>> -> memref<1x50x32xf32, #tpu.memory_space<hbm>>
        %dma_start3A_179 = tpu.memref_squeeze %dma_start3A_178 : memref<1x50x32xf32, #tpu.memory_space<hbm>> -> memref<50x32xf32, #tpu.memory_space<hbm>>
        %dma_start3A_180 = tpu.memref_slice %arg9[%dma_start3A_172] : memref<2x!tpu.dma_semaphore, #tpu.memory_space<semaphore_mem>> -> memref<1x!tpu.dma_semaphore, #tpu.memory_space<semaphore_mem>>
        %dma_start3A_181 = tpu.memref_squeeze %dma_start3A_180 : memref<1x!tpu.dma_semaphore, #tpu.memory_space<semaphore_mem>> -> memref<!tpu.dma_semaphore, #tpu.memory_space<semaphore_mem>>
        %dma_start3A_182 = arith.constant 0 : i32
        %dma_start3A_183 = arith.constant 0 : i32
        %dma_start3A_184 = tpu.memref_slice %arg4[%add3A_170, %dma_start3A_182, %dma_start3A_183] : memref<16384x50x32xf32, #tpu.memory_space<hbm>> -> memref<1x50x32xf32, #tpu.memory_space<hbm>>
        %dma_start3A_185 = tpu.memref_squeeze %dma_start3A_184 : memref<1x50x32xf32, #tpu.memory_space<hbm>> -> memref<50x32xf32, #tpu.memory_space<hbm>>
        %dma_start3A_186 = arith.constant 0 : i32
        %dma_start3A_187 = tpu.memref_slice %arg6[%dma_start3A_171, %mul3A_166, %dma_start3A_186] : memref<2x1600x32xf32, #tpu.memory_space<vmem>> -> memref<1x50x32xf32, #tpu.memory_space<vmem>>
        %dma_start3A_188 = tpu.memref_squeeze %dma_start3A_187 : memref<1x50x32xf32, #tpu.memory_space<vmem>> -> memref<50x32xf32, #tpu.memory_space<vmem>>
        tpu.enqueue_dma source(%dma_start3A_188 : memref<50x32xf32, #tpu.memory_space<vmem>>) target(%dma_start3A_185 : memref<50x32xf32, #tpu.memory_space<hbm>>) target_semaphore(%dma_start3A_181 : memref<!tpu.dma_semaphore, #tpu.memory_space<semaphore_mem>>)
        %scan3A_189 = arith.constant 0 : i32
        scf.yield %scan3A_189 : i32
      }
      %scan3A_155 = arith.constant 32 : i32
      %add3A_156 = arith.constant 2 : i32
      %add3A_157 = arith.addi %add3A_121, %add3A_156 : i32
      %lt3A_158 = arith.constant 16 : i32
      %lt3A_159 = arith.cmpi slt, %add3A_157, %lt3A_158 : i32
      %convert_element_type3A_160 = arith.extui %lt3A_159 : i1 to i32
      %cond3A_161 = arith.constant 0 : i32
      %cond3A_162 = arith.cmpi ne, %convert_element_type3A_160, %cond3A_161 : i32
      scf.if %cond3A_162 {
        %add3A_163 = arith.constant 2 : i32
        %add3A_164 = arith.addi %add3A_121, %add3A_163 : i32
        %mul3A_165 = arith.constant 32 : i32
        %mul3A_166 = arith.muli %add3A_164, %mul3A_165 : i32
        %add3A_167 = arith.addi %mul3A_2, %mul3A_166 : i32
        %mul3A_168 = arith.constant 50 : i32
        %mul3A_169 = arith.muli %add3A_167, %mul3A_168 : i32
        %dma_start3A_170 = arith.constant 1 : i32
        %dma_start3A_171 = arith.constant 1 : i32
        %dma_start3A_172 = arith.constant 0 : i32
        %dma_start3A_173 = tpu.memref_slice %arg5[%dma_start3A_170, %dma_start3A_172] : memref<2x1600xi32, #tpu.memory_space<vmem>> -> memref<1x1600xi32, #tpu.memory_space<vmem>>
        %dma_start3A_174 = tpu.memref_squeeze %dma_start3A_173 : memref<1x1600xi32, #tpu.memory_space<vmem>> -> memref<1600xi32, #tpu.memory_space<vmem>>
        %dma_start3A_175 = tpu.memref_slice %arg3[%mul3A_169] : memref<819200xi32, #tpu.memory_space<hbm>> -> memref<1600xi32, #tpu.memory_space<hbm>>
        %dma_start3A_176 = tpu.memref_slice %arg7[%dma_start3A_171] : memref<2x!tpu.dma_semaphore, #tpu.memory_space<semaphore_mem>> -> memref<1x!tpu.dma_semaphore, #tpu.memory_space<semaphore_mem>>
        %dma_start3A_177 = tpu.memref_squeeze %dma_start3A_176 : memref<1x!tpu.dma_semaphore, #tpu.memory_space<semaphore_mem>> -> memref<!tpu.dma_semaphore, #tpu.memory_space<semaphore_mem>>
        %dma_start3A_178 = arith.constant 0 : i32
        %dma_start3A_179 = tpu.memref_slice %arg5[%dma_start3A_170, %dma_start3A_178] : memref<2x1600xi32, #tpu.memory_space<vmem>> -> memref<1x1600xi32, #tpu.memory_space<vmem>>
        %dma_start3A_180 = tpu.memref_squeeze %dma_start3A_179 : memref<1x1600xi32, #tpu.memory_space<vmem>> -> memref<1600xi32, #tpu.memory_space<vmem>>
        %dma_start3A_181 = tpu.memref_slice %arg3[%mul3A_169] : memref<819200xi32, #tpu.memory_space<hbm>> -> memref<1600xi32, #tpu.memory_space<hbm>>
        tpu.enqueue_dma source(%dma_start3A_181 : memref<1600xi32, #tpu.memory_space<hbm>>) target(%dma_start3A_180 : memref<1600xi32, #tpu.memory_space<vmem>>) target_semaphore(%dma_start3A_177 : memref<!tpu.dma_semaphore, #tpu.memory_space<semaphore_mem>>)
      } else {
      }
    }
    %scan3A_68 = arith.constant 8 : i32
    %scan3A_69 = arith.constant 0 : i32
    %scan3A_70 = arith.constant 0 : i32
    %scan3A_71 = arith.constant 32 : i32
    %scan3A_72 = arith.addi %scan3A_70, %scan3A_71 : i32
    %scan3A_73 = arith.constant 1 : i32
    %scan3A_74 = scf.for %scan3A_76 = %scan3A_70 to %scan3A_72 step %scan3A_73 iter_args(%scan3A_77 = %scan3A_69) -> (i32)  : i32 {
      %mul3A_78 = arith.constant 50 : i32
      %mul3A_79 = arith.muli %scan3A_76, %mul3A_78 : i32
      %add3A_80 = arith.constant 480 : i32
      %add3A_81 = arith.addi %mul3A_2, %add3A_80 : i32
      %add3A_82 = arith.addi %add3A_81, %scan3A_76 : i32
      %dma_wait3A_83 = arith.constant 1 : i32
      %dma_wait3A_84 = arith.constant 1 : i32
      %dma_wait3A_85 = arith.constant 0 : i32
      %dma_wait3A_86 = tpu.memref_slice %arg6[%dma_wait3A_83, %mul3A_79, %dma_wait3A_85] : memref<2x1600x32xf32, #tpu.memory_space<vmem>> -> memref<1x50x32xf32, #tpu.memory_space<vmem>>
      %dma_wait3A_87 = tpu.memref_squeeze %dma_wait3A_86 : memref<1x50x32xf32, #tpu.memory_space<vmem>> -> memref<50x32xf32, #tpu.memory_space<vmem>>
      %dma_wait3A_88 = arith.constant 0 : i32
      %dma_wait3A_89 = arith.constant 0 : i32
      %dma_wait3A_90 = tpu.memref_slice %arg4[%add3A_82, %dma_wait3A_88, %dma_wait3A_89] : memref<16384x50x32xf32, #tpu.memory_space<hbm>> -> memref<1x50x32xf32, #tpu.memory_space<hbm>>
      %dma_wait3A_91 = tpu.memref_squeeze %dma_wait3A_90 : memref<1x50x32xf32, #tpu.memory_space<hbm>> -> memref<50x32xf32, #tpu.memory_space<hbm>>
      %dma_wait3A_92 = tpu.memref_slice %arg9[%dma_wait3A_84] : memref<2x!tpu.dma_semaphore, #tpu.memory_space<semaphore_mem>> -> memref<1x!tpu.dma_semaphore, #tpu.memory_space<semaphore_mem>>
      %dma_wait3A_93 = tpu.memref_squeeze %dma_wait3A_92 : memref<1x!tpu.dma_semaphore, #tpu.memory_space<semaphore_mem>> -> memref<!tpu.dma_semaphore, #tpu.memory_space<semaphore_mem>>
      %dma_wait3A_94 = arith.constant 0 : i32
      %dma_wait3A_95 = arith.constant 0 : i32
      %dma_wait3A_96 = tpu.memref_slice %arg4[%add3A_82, %dma_wait3A_94, %dma_wait3A_95] : memref<16384x50x32xf32, #tpu.memory_space<hbm>> -> memref<1x50x32xf32, #tpu.memory_space<hbm>>
      %dma_wait3A_97 = tpu.memref_squeeze %dma_wait3A_96 : memref<1x50x32xf32, #tpu.memory_space<hbm>> -> memref<50x32xf32, #tpu.memory_space<hbm>>
      %dma_wait3A_98 = arith.constant 0 : i32
      %dma_wait3A_99 = tpu.memref_slice %arg6[%dma_wait3A_83, %mul3A_79, %dma_wait3A_98] : memref<2x1600x32xf32, #tpu.memory_space<vmem>> -> memref<1x50x32xf32, #tpu.memory_space<vmem>>
      %dma_wait3A_100 = tpu.memref_squeeze %dma_wait3A_99 : memref<1x50x32xf32, #tpu.memory_space<vmem>> -> memref<50x32xf32, #tpu.memory_space<vmem>>
      tpu.wait_dma2 semaphore(%dma_wait3A_93 : memref<!tpu.dma_semaphore, #tpu.memory_space<semaphore_mem>>) src(%dma_wait3A_100 : memref<50x32xf32, #tpu.memory_space<vmem>>) dst(%dma_wait3A_97 : memref<50x32xf32, #tpu.memory_space<hbm>>)
      %scan3A_101 = arith.constant 0 : i32
      scf.yield %scan3A_101 : i32
    }
    %scan3A_75 = arith.constant 32 : i32
    return
  }
}

</mosaic_0001>

<sc_bundles>
// kernel: _gather.3.cloned.1.call-start
scs
__scs_entry_jumppad:
0x0: {  	(pc) =	sbr.rel $0x88, $3  }
0x1: {  	(tag) =	ssettag $0x0;
	lr =	simm.s32 $0x1  }
0x2: {  	[smem:$0x3F9F] =	sst lr;
	_ =	strace $0xD0000000  }
0x3: {  	_ = 	snop  }
0x4: {  	_ = 	snop  }
0x5: {  	_ = 	snop  }
0x6: {  	_ = 	snop  }
0x7: {  	_ = 	snop  }
__scs_overlays_trampoline_lowered:
0x8: {  	[smem:$0x3FAE] =	sst s0  }
0x9: {  	[smem:$0x3FAF] =	sst s1  }
0xa: {  	[smem:$0x3FB0] =	sst s2  }
0xb: {  	[smem:$0x3FB1] =	sst s3  }
0xc: {  	[smem:$0x3FB2] =	sst s4  }
0xd: {  	[smem:$0x3FB3] =	sst s5  }
0xe: {  	[smem:$0x3FB4] =	sst s6  }
0xf: {  	[smem:$0x3FB5] =	sst s7  }
0x10: {  	[smem:$0x3FB6] =	sst s8  }
0x11: {  	[smem:$0x3FB7] =	sst s9;
	s0 =	simm.s32 @!p0 $0x0  }
0x12: {  	s1 =	sld [smem:$0x3F9D];
	s0 =	simm.s32 @p0 $0x1  }
0x13: {  	[smem:$0x3FB8] =	sst s0;
	s0 =	simm.s32 @!p1 $0x0  }
0x14: {  	s2 =	sld [smem:$0x3F9C];
	s0 =	simm.s32 @p1 $0x1  }
0x15: {  	[smem:$0x3FB9] =	sst s0;
	s0 =	simm.s32 @!p2 $0x0  }
0x16: {  	s3 =	sld [smem:$0x3FDB];
	s0 =	simm.s32 @p2 $0x1  }
0x17: {  	s4 =	simm.s32 $0x1BF5;
	[smem:$0x3FBB] =	sst s0  }
0x18: {  	s0 =	sld [smem:$0x3F9E];
	_ =	swait.ge [sflag:s4], $0x0  }
0x19: {  	s7 =	sld [smem:$0x3F9F]  }
0x1a: {  	s8 =	sadd.s32 $0xFFFFE003, lr  }
0x1b: {  	s9 =	sadd.s32 $0xFFFFFEF7, lr;
	s5 =	simm.s32 $0xFFFFFFFF;
	p2 =	slt.u32 s8, $0xFFFFF086  }
0x1c: {  	p1 =	slt.u32 s9, $0xF7A;
	s5 =	simm.s32 @!p2 $0x0  }
0x1d: {  	s5 =	simm.s32 @p1 $0x1;
	p0 =	seq.s32 s7, s2  }
0x1e: {  	s7 =	smul.u32 @!p0 $0xF7A, s2;
	p2 =	seq.s32 @!p0 s5, $0x0  }
0x1f: {  	s9 =	smul.u32 $0xF7A, s1;
	s8 =	simm.s32 @!p0 $0x1BF5;
	p2 =	por !p2, p0  }
0x20: {  	[sflag:s8] =	ssyncset.s32 @!p0 $0xFFFFF086;
	s6 =	sadd.s32 @!p0 s3, s7;
	s7 =	simm.s32 @!p0 $0x108  }
0x21: {  	s3 =	sadd.s32 s3, s9;
	s6 =	sadd.s32 @!p0 $0x88, s6;
	s7 =	simm.s32 @p2 $0x1082  }
0x22: {  	[simem:s7], [sflag:s8] =	dma.local @!p0 [hbm:s6], $0xF7A  }
0x23: {  	s9 =	sor.u32 $0xD0000000, s2;
	s6 =	simm.s32 $0x108;
	_ =	swait.ge @!p0 [sflag:s8], $0x0  }
0x24: {  	s3 =	sadd.s32 $0x88, s3;
	s6 =	simm.s32 @!p1 $0x1082;
	[sflag:s4] =	ssyncset.s32 $0xFFFFF086  }
0x25: {  	[simem:s6], [sflag:s4] =	dma.local [hbm:s3], $0xF7A  }
0x26: {  	[smem:$0x3F9F] =	sst s1;
	(tag) =	ssettag s2;
	_ =	strace s9  }
0x27: {  	s1 =	sld [smem:$0x3FAF]  }
0x28: {  	s2 =	sld [smem:$0x3FB0]  }
0x29: {  	s4 =	sld [smem:$0x3FB2]  }
0x2a: {  	p0 =	seq.s32 s5, $0x0;
	s5 =	sld [smem:$0x3FB3]  }
0x2b: {  	s6 =	sld [smem:$0x3FB4]  }
0x2c: {  	s7 =	sld [smem:$0x3FB5]  }
0x2d: {  	s3 =	simm.s32 $0x108;
	s8 =	sld [smem:$0x3FB6]  }
0x2e: {  	s3 =	simm.s32 @!p0 $0x1082;
	s9 =	sld [smem:$0x3FB7]  }
0x2f: {  	lr =	sadd.s32 s0, s3;
	s0 =	sld [smem:$0x3FAE]  }
0x30: {  	s3 =	sld [smem:$0x3FB1]  }
0x31: {  	[smem:$0x3FBA] =	sst s10  }
0x32: {  	s10 =	sld [smem:$0x3FB8];
	_ =	sdelay $0x3  }
0x33: {  	p0 =	seq.s32 s10, $0x1;
	s10 =	sld [smem:$0x3FBA];
	_ =	sdelay $0x3  }
0x34: {  	[smem:$0x3FBA] =	sst s10  }
0x35: {  	s10 =	sld [smem:$0x3FB9];
	_ =	sdelay $0x3  }
0x36: {  	p1 =	seq.s32 s10, $0x1;
	s10 =	sld [smem:$0x3FBA];
	_ =	sdelay $0x3  }
0x37: {  	[smem:$0x3FBA] =	sst s10  }
0x38: {  	s10 =	sld [smem:$0x3FBB]  }
0x39: {  	_ = 	snop;
	(pc) =	sbr.ind lr, $3  }
0x3a: {  	_ = 	snop  }
0x3b: {  	_ = 	snop  }
0x3c: {  	p2 =	seq.s32 s10, $0x1;
	s10 =	sld [smem:$0x3FBA]  }
0x3d: {  	_ =	shalt  }
0x3e: {  	_ =	shalt  }
0x3f: {  	_ =	shalt  }
0x40: {  	_ =	shalt  }
0x41: {  	_ =	shalt  }
0x42: {  	_ =	shalt  }
0x43: {  	_ =	shalt  }
0x44: {  	_ =	shalt  }
0x45: {  	_ =	shalt  }
0x46: {  	_ =	shalt  }
0x47: {  	_ =	shalt  }
0x48: {  	_ =	shalt  }
0x49: {  	_ =	shalt  }
0x4a: {  	_ =	shalt  }
0x4b: {  	_ =	shalt  }
0x4c: {  	_ =	shalt  }
0x4d: {  	_ =	shalt  }
0x4e: {  	_ =	shalt  }
0x4f: {  	_ =	shalt  }
0x50: {  	_ =	shalt  }
0x51: {  	_ =	shalt  }
0x52: {  	_ =	shalt  }
0x53: {  	_ =	shalt  }
0x54: {  	_ =	shalt  }
0x55: {  	_ =	shalt  }
0x56: {  	_ =	shalt  }
0x57: {  	_ =	shalt  }
0x58: {  	_ =	shalt  }
0x59: {  	_ =	shalt  }
0x5a: {  	_ =	shalt  }
0x5b: {  	_ =	shalt  }
0x5c: {  	_ =	shalt  }
0x5d: {  	_ =	shalt  }
0x5e: {  	_ =	shalt  }
0x5f: {  	_ =	shalt  }
0x60: {  	_ =	shalt  }
0x61: {  	_ =	shalt  }
0x62: {  	_ =	shalt  }
0x63: {  	_ =	shalt  }
0x64: {  	_ =	shalt  }
0x65: {  	_ =	shalt  }
0x66: {  	_ =	shalt  }
0x67: {  	_ =	shalt  }
0x68: {  	_ =	shalt  }
0x69: {  	_ =	shalt  }
0x6a: {  	_ =	shalt  }
0x6b: {  	_ =	shalt  }
0x6c: {  	_ =	shalt  }
0x6d: {  	_ =	shalt  }
0x6e: {  	_ =	shalt  }
0x6f: {  	_ =	shalt  }
0x70: {  	_ =	shalt  }
0x71: {  	_ =	shalt  }
0x72: {  	_ =	shalt  }
0x73: {  	_ =	shalt  }
0x74: {  	_ =	shalt  }
0x75: {  	_ =	shalt  }
0x76: {  	_ =	shalt  }
0x77: {  	_ =	shalt  }
0x78: {  	_ =	shalt  }
0x79: {  	_ =	shalt  }
0x7a: {  	_ =	shalt  }
0x7b: {  	_ =	shalt  }
0x7c: {  	_ =	shalt  }
0x7d: {  	_ =	shalt  }
0x7e: {  	_ =	shalt  }
0x7f: {  	_ =	shalt  }
0x80: {  	_ =	shalt  }
0x81: {  	_ =	shalt  }
0x82: {  	_ =	shalt  }
0x83: {  	_ =	shalt  }
0x84: {  	_ =	shalt  }
0x85: {  	_ =	shalt  }
0x86: {  	_ =	shalt  }
0x87: {  	_ =	shalt  }
.Lfunc_end0:
.L_simem_size_0:
called_computation.1_lowered:
.L_overlay_start_0:
0x88: {  	s2 =	sld [smem:$0x3FD9]  }
0x89: {  	s3 =	sld [smem:$0x3FFE];
	_ =	sdelay $0x1  }
0x8a: {  	s1 =	srdreg.scid  }
0x8b: {  	s0 =	sand.u32 $0x1, s1  }
0x8c: {  	s17 =	sshll.u32 s0, $0xA;
	s2 =	sadd.s32 s3, s2  }
0x8d: {  	s2 =	sadd.s32 s2, s17  }
0x8e: {  	[smem:$0x3FC6] =	sst s2  }
0x8f: {  	_ = 	snop  }
0x90: {  	s2 =	sld [smem:$0x3FC8]  }
0x91: {  	s18 =	sld [smem:$0x3FD0];
	(tm) =	ssettm $0x1  }
0x92: {  	s4 =	sld [smem:$0x3FFB];
	_ =	sdelay $0x3  }
0x93: {  	_ =	strace s4  }
0x94: {  	s4 =	sld [smem:$0x3FFC];
	_ =	sdelay $0x3  }
0x95: {  	_ =	strace s4  }
0x96: {  	s4 =	sld [smem:$0x3FFD];
	_ =	sdelay $0x3  }
0x97: {  	_ =	strace s4  }
0x98: {  	_ =	strace $0x8FFFFFFF  }
0x99: {  	s19 =	sld [smem:$0x3FDB];
	_ =	sdelay $0x1  }
0x9a: {  	s5 =	simm.s32 $_scs_section_size  }
0x9b: {  	s6 =	simm.s32 $_size__tile_overlayer_lowered;
	s7 =	simm.s32 $_tile_overlayer_lowered  }
0x9c: {  	s22 =	simm.s32 $0x1BFF;
	s21 =	sshll.u32 s7, $0x1;
	s4 =	sadd.s32 s5, s19  }
0x9d: {  	s8 =	simm.s32 $0x0;
	s20 =	sshll.u32 s6, $0x1;
	s6 =	sadd.s32 s21, s4  }
0x9e: {  	[timem:s8], [sflag:s22] =	dma.local [hbm:s6], s20  }
0x9f: {  	_ =	swait.ge [sflag:s22], s20  }
0xa0: {  	s5 =	ssub.s32 $0x0, s20;
	[sflag:s22] =	ssyncset.done $0x0  }
0xa1: {  	[sflag:s22] =	ssyncadd.s32 s5;
	_ =	sdelay $0x1  }
0xa2: {  	s23 =	simm.s32 $0x1B8B  }
0xa3: {  	_ =	swait.ge [sflag:s23], $0x1  }
0xa4: {  	[sflag:s23] =	ssyncset.done $0x0  }
0xa5: {  	s25 =	simm.s32 $0x1B8E;
	s24 =	sld [smem:$0x3FFE];
	[sflag:s23] =	ssyncadd.s32 $0xFFFFFFFF  }
0xa6: {  	s26 =	simm.s32 $execute0_lowered;
	[smem:$0x3FD2] =	sst s25  }
0xa7: {  	s6 =	sshll.u32 s26, $0x1;
	_ =	strace $0x80000046;
	[dreg:$0x1] =	wrdreg $0xFFFFFFFF  }
0xa8: {  	s28 =	simm.s32 $_size_execute0_lowered;
	s4 =	sadd.s32 s4, s6;
	[dreg:$0x0] =	wrdreg $0x0  }
0xa9: {  	s6 =	sshll.u32 s28, $0x1;
	[dreg:$0x2] =	wrdreg s4  }
0xaa: {  	[dreg:$0x3] =	wrdreg s6  }
0xab: {  	[dreg:$0x4] =	wrdreg $0xC0  }
0xac: {  	_ =	task [dreg:s8], $0x5FFFF  }
0xad: {  	[dreg:$0x1] =	wrdreg $0xFFFFFFFF  }
0xae: {  	[dreg:$0x0] =	wrdreg $0x60  }
0xaf: {  	[dreg:$0x2] =	wrdreg s24  }
0xb0: {  	[dreg:$0x3] =	wrdreg s2  }
0xb1: {  	[dreg:$0x4] =	wrdreg s18  }
0xb2: {  	[dreg:$0x5] =	wrdreg $0x9  }
0xb3: {  	_ =	task.clear_ibuf [dreg:s8], $0x6FFFF;
	_ =	strace $0x90000046  }
0xb4: {  	s29 =	simm.s32 $0x9;
	_ =	strace $0x80000048  }
0xb5: {  	_ =	swait.ge [sflag:s29], $0x1  }
0xb6: {  	[sflag:s29] =	ssyncadd.s32 $0xFFFFFFFF  }
0xb7: {  	_ =	strace $0x90000048  }
0xb8: {  	_ =	sfence  }
0xb9: {  	s30 =	sld [smem:$0x0];
	_ =	sdelay $0x2  }
0xba: {  	s31 =	sshll.u32 s1, $0xD;
	s1 =	sshrl.u32 s1, $0x2  }
0xbb: {  	s3 =	sand.u32 $0x4000, s31;
	s1 =	sadd.s32 s1, s30  }
0xbc: {  	s0 =	sor.u32 s3, s0;
	s1 =	sshll.u32 s1, $0x11  }
0xbd: {  	s0 =	sor.u32 s1, s0  }
0xbe: {  	s0 =	sadd.s32 $0x8F2B, s0  }
0xbf: {  	[sflag:s0] =	ssyncadd.remote.s32 $0x1  }
0xc0: {  	_ =	sfence.sel $0xFFFF  }
0xc1: {  	[dreg:$0x0] =	wrdreg $0xFFFFFFFF;
	(pc) =	sbr.abs _section_cstart, $3  }
0xc2: {  	[dreg:$0x1] =	wrdreg $0xFFFFFFFF  }
0xc3: {  	_ =	task.clear_ibuf [dreg:s8], $0x2FFFF;
	_ =	strace $0x9FFFFFFF  }
0xc4: {  	(tm) =	ssettm $0x7FFFFFFF  }
0xc5: {  	_ =	shalt  }
tec
execute0_lowered:
.L_overlay_start_1:
0x0: {  	(tag) =	ssettag $0x1  }
0x1: {  	s4 =	rddreg [dreg:$0x0]  }
0x2: {  	s2 =	rddreg [dreg:$0x1]  }
0x3: {  	s7 =	rddreg [dreg:$0x2]  }
0x4: {  	s0 =	rddreg [dreg:$0x3]  }
0x5: {  	s5 =	srdreg.scid;
	s1 =	stileid.u32  }
0x6: {  	s3 =	simm.s32 $0x0;
	s14 =	simm.s32 $0xC80;
	s15 =	simm.s32 $0x2  }
0x7: {  	s16 =	simm.s32 $0xD480;
	s17 =	simm.s32 $0x3;
	s18 =	simm.s32 $0x5  }
0x8: {  	s19 =	simm.s32 $0x4;
	s20 =	simm.s32 $0x6;
	s21 =	simm.s32 $0x0  }
0x9: {  	s5 =	sand.u32 $0x1, s5;
	s6 =	sshll.u32 s1, $0x1;
	s30 =	smul.u32 $0x32000, s1  }
0xa: {  	[smem:$0x7FF] =	sst s3;
	s6 =	sor.u32 s5, s6;
	s13 =	smul.u32 $0x19000, s5  }
0xb: {  	s4 =	sadd.s32 $0xF42C00, s4;
	s8 =	ssub.s32 $0x2, s5;
	s9 =	smul.u32 $0x6400, s6  }
0xc: {  	_ =	strace $0x80000047;
	s10 =	sshrl.u32 s8, $0x1;
	s11 =	smul.u32 $0xC80, s6  }
.Ltmp0:
0xd: {  	s12 =	sshll.u32 s6, $0x9;
	s10 =	ssub.s32 s8, s10;
	(pc) =	sbr.rel .LBB2_1-.Ltmp0, $4  }
0xe: {  	s8 =	sor.u32 $0x60, s12;
	s29 =	sshrl.u32 s9, $0x3;
	s5 =	sadd.s32 s2, s11  }
0xf: {  	s9 =	sadd.s32 s30, s7;
	s7 =	sor.u32 $0x40, s12;
	s10 =	smax.u32 s10, $0x1  }
0x10: {  	s12 =	simm.s32 $0x640;
	s31 =	sadd.s32 s2, s29;
	s9 =	sadd.s32 s13, s9  }
0x11: {  	s13 =	simm.s32 $0x1;
	s6 =	sadd.s32 $0xC8, s31;
	s11 =	sadd.s32 $0x1900, s9  }
.LBB2_10:
0x12: {  	_ =	swait.ge [sflag:s20], $0x640  }
0x13: {  	[sflag:s20] =	ssyncset.done $0x0  }
0x14: {  	[sflag:s20] =	ssyncadd.s32 $0xFFFFF9C0  }
0x15: {  	_ =	swait.ge [sflag:s20], $0x640  }
0x16: {  	[sflag:s20] =	ssyncset.done $0x0  }
0x17: {  	[sflag:s20] =	ssyncadd.s32 $0xFFFFF9C0  }
0x18: {  	_ =	swait.ge [sflag:s20], $0x640  }
0x19: {  	[sflag:s20] =	ssyncset.done $0x0  }
0x1a: {  	[sflag:s20] =	ssyncadd.s32 $0xFFFFF9C0  }
0x1b: {  	_ =	swait.ge [sflag:s20], $0x640  }
0x1c: {  	[sflag:s20] =	ssyncset.done $0x0  }
0x1d: {  	[sflag:s20] =	ssyncadd.s32 $0xFFFFF9C0  }
0x1e: {  	_ =	swait.ge [sflag:s20], $0x640  }
0x1f: {  	[sflag:s20] =	ssyncset.done $0x0  }
0x20: {  	[sflag:s20] =	ssyncadd.s32 $0xFFFFF9C0  }
0x21: {  	_ =	swait.ge [sflag:s20], $0x640  }
0x22: {  	[sflag:s20] =	ssyncset.done $0x0  }
0x23: {  	[sflag:s20] =	ssyncadd.s32 $0xFFFFF9C0  }
0x24: {  	_ =	swait.ge [sflag:s20], $0x640  }
0x25: {  	[sflag:s20] =	ssyncset.done $0x0  }
0x26: {  	[sflag:s20] =	ssyncadd.s32 $0xFFFFF9C0  }
0x27: {  	_ =	swait.ge [sflag:s20], $0x640  }
0x28: {  	[sflag:s20] =	ssyncset.done $0x0  }
0x29: {  	[sflag:s20] =	ssyncadd.s32 $0xFFFFF9C0  }
0x2a: {  	_ =	swait.ge [sflag:s20], $0x640  }
0x2b: {  	[sflag:s20] =	ssyncset.done $0x0  }
0x2c: {  	[sflag:s20] =	ssyncadd.s32 $0xFFFFF9C0  }
0x2d: {  	_ =	swait.ge [sflag:s20], $0x640  }
0x2e: {  	[sflag:s20] =	ssyncset.done $0x0  }
0x2f: {  	[sflag:s20] =	ssyncadd.s32 $0xFFFFF9C0  }
0x30: {  	_ =	swait.ge [sflag:s20], $0x640  }
0x31: {  	[sflag:s20] =	ssyncset.done $0x0  }
0x32: {  	[sflag:s20] =	ssyncadd.s32 $0xFFFFF9C0  }
0x33: {  	_ =	swait.ge [sflag:s20], $0x640  }
0x34: {  	[sflag:s20] =	ssyncset.done $0x0  }
0x35: {  	[sflag:s20] =	ssyncadd.s32 $0xFFFFF9C0  }
0x36: {  	_ =	swait.ge [sflag:s20], $0x640  }
0x37: {  	[sflag:s20] =	ssyncset.done $0x0  }
0x38: {  	[sflag:s20] =	ssyncadd.s32 $0xFFFFF9C0  }
0x39: {  	_ =	swait.ge [sflag:s20], $0x640  }
0x3a: {  	[sflag:s20] =	ssyncset.done $0x0  }
0x3b: {  	[sflag:s20] =	ssyncadd.s32 $0xFFFFF9C0  }
0x3c: {  	_ =	swait.ge [sflag:s20], $0x640  }
0x3d: {  	[sflag:s20] =	ssyncset.done $0x0  }
0x3e: {  	[sflag:s20] =	ssyncadd.s32 $0xFFFFF9C0  }
0x3f: {  	_ =	swait.ge [sflag:s20], $0x640  }
0x40: {  	[sflag:s20] =	ssyncset.done $0x0  }
0x41: {  	[sflag:s20] =	ssyncadd.s32 $0xFFFFF9C0  }
0x42: {  	_ =	swait.ge [sflag:s20], $0x640  }
0x43: {  	[sflag:s20] =	ssyncset.done $0x0  }
0x44: {  	[sflag:s20] =	ssyncadd.s32 $0xFFFFF9C0  }
0x45: {  	_ =	swait.ge [sflag:s20], $0x640  }
0x46: {  	[sflag:s20] =	ssyncset.done $0x0  }
0x47: {  	[sflag:s20] =	ssyncadd.s32 $0xFFFFF9C0  }
0x48: {  	_ =	swait.ge [sflag:s20], $0x640  }
0x49: {  	[sflag:s20] =	ssyncset.done $0x0  }
0x4a: {  	[sflag:s20] =	ssyncadd.s32 $0xFFFFF9C0  }
0x4b: {  	_ =	swait.ge [sflag:s20], $0x640  }
0x4c: {  	[sflag:s20] =	ssyncset.done $0x0  }
0x4d: {  	[sflag:s20] =	ssyncadd.s32 $0xFFFFF9C0  }
0x4e: {  	_ =	swait.ge [sflag:s20], $0x640  }
0x4f: {  	[sflag:s20] =	ssyncset.done $0x0  }
0x50: {  	[sflag:s20] =	ssyncadd.s32 $0xFFFFF9C0  }
0x51: {  	_ =	swait.ge [sflag:s20], $0x640  }
0x52: {  	[sflag:s20] =	ssyncset.done $0x0  }
0x53: {  	[sflag:s20] =	ssyncadd.s32 $0xFFFFF9C0  }
0x54: {  	_ =	swait.ge [sflag:s20], $0x640  }
0x55: {  	[sflag:s20] =	ssyncset.done $0x0  }
0x56: {  	[sflag:s20] =	ssyncadd.s32 $0xFFFFF9C0  }
0x57: {  	_ =	swait.ge [sflag:s20], $0x640  }
0x58: {  	[sflag:s20] =	ssyncset.done $0x0  }
0x59: {  	[sflag:s20] =	ssyncadd.s32 $0xFFFFF9C0  }
0x5a: {  	_ =	swait.ge [sflag:s20], $0x640  }
0x5b: {  	[sflag:s20] =	ssyncset.done $0x0  }
0x5c: {  	[sflag:s20] =	ssyncadd.s32 $0xFFFFF9C0  }
0x5d: {  	_ =	swait.ge [sflag:s20], $0x640  }
0x5e: {  	[sflag:s20] =	ssyncset.done $0x0  }
0x5f: {  	[sflag:s20] =	ssyncadd.s32 $0xFFFFF9C0  }
0x60: {  	_ =	swait.ge [sflag:s20], $0x640  }
0x61: {  	[sflag:s20] =	ssyncset.done $0x0  }
0x62: {  	[sflag:s20] =	ssyncadd.s32 $0xFFFFF9C0  }
0x63: {  	_ =	swait.ge [sflag:s20], $0x640  }
0x64: {  	[sflag:s20] =	ssyncset.done $0x0  }
0x65: {  	[sflag:s20] =	ssyncadd.s32 $0xFFFFF9C0  }
0x66: {  	_ =	swait.ge [sflag:s20], $0x640  }
0x67: {  	[sflag:s20] =	ssyncset.done $0x0  }
0x68: {  	[sflag:s20] =	ssyncadd.s32 $0xFFFFF9C0  }
0x69: {  	_ =	swait.ge [sflag:s20], $0x640  }
0x6a: {  	[sflag:s20] =	ssyncset.done $0x0  }
0x6b: {  	s21 =	sadd.s32 $0x1, s21;
	[sflag:s20] =	ssyncadd.s32 $0xFFFFF9C0  }
0x6c: {  	p0 =	sne.s32 s21, s10;
	_ =	swait.ge [sflag:s20], $0x640  }
.Ltmp1:
0x6d: {  	[sflag:s20] =	ssyncset.done $0x0;
	(pc) =	sbr.rel @!p0 .LBB2_11-.Ltmp1, $4  }
0x6e: {  	[sflag:s20] =	ssyncadd.s32 $0xFFFFF9C0  }
0x6f: {  	_ =	swait.ge [sflag:s20], $0x640  }
0x70: {  	[sflag:s20] =	ssyncset.done $0x0  }
0x71: {  	[sflag:s20] =	ssyncadd.s32 $0xFFFFF9C0  }
.LBB2_1:
0x72: {  	[tilespmem:s3], [sflag:$0x1] =	stream.linear.gather [hbm4b:s5+s3], $0x640, $0x38;
	[tilespmem:$0x19C80] =	vst v63  }
0x73: {  	_ = 	snop  }
0x74: {  	[tilespmem:s12], [sflag:$0x2] =	stream.linear.gather [hbm4b:s6+s3], $0x640, $0x38;
	[tilespmem:$0x19C80] =	vst v63  }
0x75: {  	_ =	swait.ge [sflag:s13], $0x640  }
0x76: {  	s22 =	smov.u32 s11;
	[sflag:s13] =	ssyncset.done $0x0  }
0x77: {  	s23 =	smov.u32 s9;
	s24 =	simm.s32 $0x0;
	[sflag:s13] =	ssyncadd.s32 $0xFFFFF9C0  }
0x78: {  	[tilespmem:s14], [sflag:$0x3] =	stream.indirect.gather [hbm4b:s4+s12], $0x20, s3, s12, $0xb8;
	[tilespmem:$0x19C80] =	vst v63  }
.LBB2_2:
0x79: {  	p0 =	seq.s32 s24, $0x0  }
.Ltmp2:
0x7a: {  	_ = 	snop;
	(pc) =	sbr.rel @p0 .LBB2_4-.Ltmp2, $1  }
0x7b: {  	_ =	sdelay $0x3  }
0x7c: {  	_ =	swait.ge [sflag:s20], $0x640  }
0x7d: {  	[sflag:s20] =	ssyncset.done $0x0  }
0x7e: {  	[sflag:s20] =	ssyncadd.s32 $0xFFFFF9C0  }
0x7f: {  	_ =	swait.ge [sflag:s20], $0x640  }
0x80: {  	[sflag:s20] =	ssyncset.done $0x0  }
0x81: {  	[sflag:s20] =	ssyncadd.s32 $0xFFFFF9C0  }
0x82: {  	_ =	swait.ge [sflag:s20], $0x640  }
0x83: {  	[sflag:s20] =	ssyncset.done $0x0  }
0x84: {  	[sflag:s20] =	ssyncadd.s32 $0xFFFFF9C0  }
0x85: {  	_ =	swait.ge [sflag:s20], $0x640  }
0x86: {  	[sflag:s20] =	ssyncset.done $0x0  }
0x87: {  	[sflag:s20] =	ssyncadd.s32 $0xFFFFF9C0  }
0x88: {  	_ =	swait.ge [sflag:s20], $0x640  }
0x89: {  	[sflag:s20] =	ssyncset.done $0x0  }
0x8a: {  	[sflag:s20] =	ssyncadd.s32 $0xFFFFF9C0  }
0x8b: {  	_ =	swait.ge [sflag:s20], $0x640  }
0x8c: {  	[sflag:s20] =	ssyncset.done $0x0  }
0x8d: {  	[sflag:s20] =	ssyncadd.s32 $0xFFFFF9C0  }
0x8e: {  	_ =	swait.ge [sflag:s20], $0x640  }
0x8f: {  	[sflag:s20] =	ssyncset.done $0x0  }
0x90: {  	[sflag:s20] =	ssyncadd.s32 $0xFFFFF9C0  }
0x91: {  	_ =	swait.ge [sflag:s20], $0x640  }
0x92: {  	[sflag:s20] =	ssyncset.done $0x0  }
0x93: {  	[sflag:s20] =	ssyncadd.s32 $0xFFFFF9C0  }
0x94: {  	_ =	swait.ge [sflag:s20], $0x640  }
0x95: {  	[sflag:s20] =	ssyncset.done $0x0  }
0x96: {  	[sflag:s20] =	ssyncadd.s32 $0xFFFFF9C0  }
0x97: {  	_ =	swait.ge [sflag:s20], $0x640  }
0x98: {  	[sflag:s20] =	ssyncset.done $0x0  }
0x99: {  	[sflag:s20] =	ssyncadd.s32 $0xFFFFF9C0  }
0x9a: {  	_ =	swait.ge [sflag:s20], $0x640  }
0x9b: {  	[sflag:s20] =	ssyncset.done $0x0  }
0x9c: {  	[sflag:s20] =	ssyncadd.s32 $0xFFFFF9C0  }
0x9d: {  	_ =	swait.ge [sflag:s20], $0x640  }
0x9e: {  	[sflag:s20] =	ssyncset.done $0x0  }
0x9f: {  	[sflag:s20] =	ssyncadd.s32 $0xFFFFF9C0  }
0xa0: {  	_ =	swait.ge [sflag:s20], $0x640  }
0xa1: {  	[sflag:s20] =	ssyncset.done $0x0  }
0xa2: {  	[sflag:s20] =	ssyncadd.s32 $0xFFFFF9C0  }
0xa3: {  	_ =	swait.ge [sflag:s20], $0x640  }
0xa4: {  	[sflag:s20] =	ssyncset.done $0x0  }
0xa5: {  	[sflag:s20] =	ssyncadd.s32 $0xFFFFF9C0  }
0xa6: {  	_ =	swait.ge [sflag:s20], $0x640  }
0xa7: {  	[sflag:s20] =	ssyncset.done $0x0  }
0xa8: {  	[sflag:s20] =	ssyncadd.s32 $0xFFFFF9C0  }
0xa9: {  	_ =	swait.ge [sflag:s20], $0x640  }
0xaa: {  	[sflag:s20] =	ssyncset.done $0x0  }
0xab: {  	[sflag:s20] =	ssyncadd.s32 $0xFFFFF9C0  }
0xac: {  	_ =	swait.ge [sflag:s20], $0x640  }
0xad: {  	[sflag:s20] =	ssyncset.done $0x0  }
0xae: {  	[sflag:s20] =	ssyncadd.s32 $0xFFFFF9C0  }
0xaf: {  	_ =	swait.ge [sflag:s20], $0x640  }
0xb0: {  	[sflag:s20] =	ssyncset.done $0x0  }
0xb1: {  	[sflag:s20] =	ssyncadd.s32 $0xFFFFF9C0  }
0xb2: {  	_ =	swait.ge [sflag:s20], $0x640  }
0xb3: {  	[sflag:s20] =	ssyncset.done $0x0  }
0xb4: {  	[sflag:s20] =	ssyncadd.s32 $0xFFFFF9C0  }
0xb5: {  	_ =	swait.ge [sflag:s20], $0x640  }
0xb6: {  	[sflag:s20] =	ssyncset.done $0x0  }
0xb7: {  	[sflag:s20] =	ssyncadd.s32 $0xFFFFF9C0  }
0xb8: {  	_ =	swait.ge [sflag:s20], $0x640  }
0xb9: {  	[sflag:s20] =	ssyncset.done $0x0  }
0xba: {  	[sflag:s20] =	ssyncadd.s32 $0xFFFFF9C0  }
0xbb: {  	_ =	swait.ge [sflag:s20], $0x640  }
0xbc: {  	[sflag:s20] =	ssyncset.done $0x0  }
0xbd: {  	[sflag:s20] =	ssyncadd.s32 $0xFFFFF9C0  }
0xbe: {  	_ =	swait.ge [sflag:s20], $0x640  }
0xbf: {  	[sflag:s20] =	ssyncset.done $0x0  }
0xc0: {  	[sflag:s20] =	ssyncadd.s32 $0xFFFFF9C0  }
0xc1: {  	_ =	swait.ge [sflag:s20], $0x640  }
0xc2: {  	[sflag:s20] =	ssyncset.done $0x0  }
0xc3: {  	[sflag:s20] =	ssyncadd.s32 $0xFFFFF9C0  }
0xc4: {  	_ =	swait.ge [sflag:s20], $0x640  }
0xc5: {  	[sflag:s20] =	ssyncset.done $0x0  }
0xc6: {  	[sflag:s20] =	ssyncadd.s32 $0xFFFFF9C0  }
0xc7: {  	_ =	swait.ge [sflag:s20], $0x640  }
0xc8: {  	[sflag:s20] =	ssyncset.done $0x0  }
0xc9: {  	[sflag:s20] =	ssyncadd.s32 $0xFFFFF9C0  }
0xca: {  	_ =	swait.ge [sflag:s20], $0x640  }
0xcb: {  	[sflag:s20] =	ssyncset.done $0x0  }
0xcc: {  	[sflag:s20] =	ssyncadd.s32 $0xFFFFF9C0  }
0xcd: {  	_ =	swait.ge [sflag:s20], $0x640  }
0xce: {  	[sflag:s20] =	ssyncset.done $0x0  }
0xcf: {  	[sflag:s20] =	ssyncadd.s32 $0xFFFFF9C0  }
0xd0: {  	_ =	swait.ge [sflag:s20], $0x640  }
0xd1: {  	[sflag:s20] =	ssyncset.done $0x0  }
0xd2: {  	[sflag:s20] =	ssyncadd.s32 $0xFFFFF9C0  }
0xd3: {  	_ =	swait.ge [sflag:s20], $0x640  }
0xd4: {  	[sflag:s20] =	ssyncset.done $0x0  }
0xd5: {  	[sflag:s20] =	ssyncadd.s32 $0xFFFFF9C0  }
0xd6: {  	_ =	swait.ge [sflag:s20], $0x640  }
0xd7: {  	[sflag:s20] =	ssyncset.done $0x0  }
0xd8: {  	[sflag:s20] =	ssyncadd.s32 $0xFFFFF9C0  }
0xd9: {  	_ =	swait.ge [sflag:s20], $0x640  }
0xda: {  	[sflag:s20] =	ssyncset.done $0x0  }
0xdb: {  	[sflag:s20] =	ssyncadd.s32 $0xFFFFF9C0  }
.LBB2_4:
0xdc: {  	_ =	swait.ge [sflag:s15], $0x640  }
0xdd: {  	[sflag:s15] =	ssyncset.done $0x0  }
0xde: {  	[sflag:s15] =	ssyncadd.s32 $0xFFFFF9C0  }
0xdf: {  	[tilespmem:s16], [sflag:$0x4] =	stream.indirect.gather [hbm4b:s4+s12], $0x20, s12, s12, $0xb8;
	[tilespmem:$0x19C80] =	vst v63  }
0xe0: {  	s25 =	sshll.u32 s24, $0x6;
	_ =	swait.ge [sflag:s17], $0xC800  }
0xe1: {  	s26 =	simm.s32 $0xC80;
	s28 =	simm.s32 $0xC8;
	[sflag:s17] =	ssyncset.done $0x0  }
0xe2: {  	s30 =	sadd.s32 $0x0, s23;
	s29 =	simm.s32 $0x12C0;
	[sflag:s17] =	ssyncadd.s32 $0xFFFF3800  }
.LBB2_5:
0xe3: {  	[hbm4b:s30+s3] =	stream.linear.scatter [tilespmem:s26], [sflag:$0x5], $0x640, $0x38;
	[tilespmem:$0x19C80] =	vst v63  }
0xe4: {  	s30 =	smov.u32 s28;
	s26 =	smov.u32 s29;
	p0 =	sne.s32 s28, $0x1838  }
.Ltmp3:
0xe5: {  	s28 =	sadd.s32 $0xC8, s28;
	(pc) =	sbr.rel @p0 .LBB2_5-.Ltmp3, $2  }
0xe6: {  	_ =	sdelay $0x2  }
0xe7: {  	s29 =	sadd.s32 $0x640, s29;
	s30 =	sadd.s32 s30, s23  }
0xe8: {  	p0 =	seq.s32 s24, $0x7  }
0xe9: {  	s28 =	sadd.s32 @!p0 s25, s7  }
0xea: {  	s28 =	smul.u32 @!p0 $0x32, s28  }
0xeb: {  	[hbm4b:s30+s3] =	stream.linear.scatter [tilespmem:s26], [sflag:$0x5], $0x640, $0x38;
	[tilespmem:$0x19C80] =	vst v63  }
0xec: {  	s26 =	sshrl.u32 @!p0 s28, $0x3  }
0xed: {  	s28 =	sadd.s32 @!p0 s2, s26;
	s26 =	simm.s32 @!p0 $0x0  }
0xee: {  	[tilespmem:s26], [sflag:$0x1] =	stream.linear.gather @!p0 [hbm4b:s28+s26], $0x640, $0x38;
	[tilespmem:$0x19C80] =	vst v63  }
0xef: {  	_ =	swait.ge [sflag:s18], $0x640  }
0xf0: {  	[sflag:s18] =	ssyncset.done $0x0  }
0xf1: {  	[sflag:s18] =	ssyncadd.s32 $0xFFFFF9C0  }
0xf2: {  	_ =	swait.ge [sflag:s18], $0x640  }
0xf3: {  	[sflag:s18] =	ssyncset.done $0x0  }
0xf4: {  	[sflag:s18] =	ssyncadd.s32 $0xFFFFF9C0  }
0xf5: {  	_ =	swait.ge [sflag:s18], $0x640  }
0xf6: {  	[sflag:s18] =	ssyncset.done $0x0  }
0xf7: {  	[sflag:s18] =	ssyncadd.s32 $0xFFFFF9C0  }
0xf8: {  	_ =	swait.ge [sflag:s18], $0x640  }
0xf9: {  	[sflag:s18] =	ssyncset.done $0x0  }
0xfa: {  	[sflag:s18] =	ssyncadd.s32 $0xFFFFF9C0  }
0xfb: {  	_ =	swait.ge [sflag:s18], $0x640  }
0xfc: {  	[sflag:s18] =	ssyncset.done $0x0  }
0xfd: {  	[sflag:s18] =	ssyncadd.s32 $0xFFFFF9C0  }
0xfe: {  	_ =	swait.ge [sflag:s18], $0x640  }
0xff: {  	[sflag:s18] =	ssyncset.done $0x0  }
0x100: {  	[sflag:s18] =	ssyncadd.s32 $0xFFFFF9C0  }
0x101: {  	_ =	swait.ge [sflag:s18], $0x640  }
0x102: {  	[sflag:s18] =	ssyncset.done $0x0  }
0x103: {  	[sflag:s18] =	ssyncadd.s32 $0xFFFFF9C0  }
0x104: {  	_ =	swait.ge [sflag:s18], $0x640  }
0x105: {  	[sflag:s18] =	ssyncset.done $0x0  }
0x106: {  	[sflag:s18] =	ssyncadd.s32 $0xFFFFF9C0  }
0x107: {  	_ =	swait.ge [sflag:s18], $0x640  }
0x108: {  	[sflag:s18] =	ssyncset.done $0x0  }
0x109: {  	[sflag:s18] =	ssyncadd.s32 $0xFFFFF9C0  }
0x10a: {  	_ =	swait.ge [sflag:s18], $0x640  }
0x10b: {  	[sflag:s18] =	ssyncset.done $0x0  }
0x10c: {  	[sflag:s18] =	ssyncadd.s32 $0xFFFFF9C0  }
0x10d: {  	_ =	swait.ge [sflag:s18], $0x640  }
0x10e: {  	[sflag:s18] =	ssyncset.done $0x0  }
0x10f: {  	[sflag:s18] =	ssyncadd.s32 $0xFFFFF9C0  }
0x110: {  	_ =	swait.ge [sflag:s18], $0x640  }
0x111: {  	[sflag:s18] =	ssyncset.done $0x0  }
0x112: {  	[sflag:s18] =	ssyncadd.s32 $0xFFFFF9C0  }
0x113: {  	_ =	swait.ge [sflag:s18], $0x640  }
0x114: {  	[sflag:s18] =	ssyncset.done $0x0  }
0x115: {  	[sflag:s18] =	ssyncadd.s32 $0xFFFFF9C0  }
0x116: {  	_ =	swait.ge [sflag:s18], $0x640  }
0x117: {  	[sflag:s18] =	ssyncset.done $0x0  }
0x118: {  	[sflag:s18] =	ssyncadd.s32 $0xFFFFF9C0  }
0x119: {  	_ =	swait.ge [sflag:s18], $0x640  }
0x11a: {  	[sflag:s18] =	ssyncset.done $0x0  }
0x11b: {  	[sflag:s18] =	ssyncadd.s32 $0xFFFFF9C0  }
0x11c: {  	_ =	swait.ge [sflag:s18], $0x640  }
0x11d: {  	[sflag:s18] =	ssyncset.done $0x0  }
0x11e: {  	[sflag:s18] =	ssyncadd.s32 $0xFFFFF9C0  }
0x11f: {  	_ =	swait.ge [sflag:s18], $0x640  }
0x120: {  	[sflag:s18] =	ssyncset.done $0x0  }
0x121: {  	[sflag:s18] =	ssyncadd.s32 $0xFFFFF9C0  }
0x122: {  	_ =	swait.ge [sflag:s18], $0x640  }
0x123: {  	[sflag:s18] =	ssyncset.done $0x0  }
0x124: {  	[sflag:s18] =	ssyncadd.s32 $0xFFFFF9C0  }
0x125: {  	_ =	swait.ge [sflag:s18], $0x640  }
0x126: {  	[sflag:s18] =	ssyncset.done $0x0  }
0x127: {  	[sflag:s18] =	ssyncadd.s32 $0xFFFFF9C0  }
0x128: {  	_ =	swait.ge [sflag:s18], $0x640  }
0x129: {  	[sflag:s18] =	ssyncset.done $0x0  }
0x12a: {  	[sflag:s18] =	ssyncadd.s32 $0xFFFFF9C0  }
0x12b: {  	_ =	swait.ge [sflag:s18], $0x640  }
0x12c: {  	[sflag:s18] =	ssyncset.done $0x0  }
0x12d: {  	[sflag:s18] =	ssyncadd.s32 $0xFFFFF9C0  }
0x12e: {  	_ =	swait.ge [sflag:s18], $0x640  }
0x12f: {  	[sflag:s18] =	ssyncset.done $0x0  }
0x130: {  	[sflag:s18] =	ssyncadd.s32 $0xFFFFF9C0  }
0x131: {  	_ =	swait.ge [sflag:s18], $0x640  }
0x132: {  	[sflag:s18] =	ssyncset.done $0x0  }
0x133: {  	[sflag:s18] =	ssyncadd.s32 $0xFFFFF9C0  }
0x134: {  	_ =	swait.ge [sflag:s18], $0x640  }
0x135: {  	[sflag:s18] =	ssyncset.done $0x0  }
0x136: {  	[sflag:s18] =	ssyncadd.s32 $0xFFFFF9C0  }
0x137: {  	_ =	swait.ge [sflag:s18], $0x640  }
0x138: {  	[sflag:s18] =	ssyncset.done $0x0  }
0x139: {  	[sflag:s18] =	ssyncadd.s32 $0xFFFFF9C0  }
0x13a: {  	_ =	swait.ge [sflag:s18], $0x640  }
0x13b: {  	[sflag:s18] =	ssyncset.done $0x0  }
0x13c: {  	[sflag:s18] =	ssyncadd.s32 $0xFFFFF9C0  }
0x13d: {  	_ =	swait.ge [sflag:s18], $0x640  }
0x13e: {  	[sflag:s18] =	ssyncset.done $0x0  }
0x13f: {  	[sflag:s18] =	ssyncadd.s32 $0xFFFFF9C0  }
0x140: {  	_ =	swait.ge [sflag:s18], $0x640  }
0x141: {  	[sflag:s18] =	ssyncset.done $0x0  }
0x142: {  	[sflag:s18] =	ssyncadd.s32 $0xFFFFF9C0  }
0x143: {  	_ =	swait.ge [sflag:s18], $0x640  }
0x144: {  	[sflag:s18] =	ssyncset.done $0x0  }
0x145: {  	[sflag:s18] =	ssyncadd.s32 $0xFFFFF9C0  }
0x146: {  	_ =	swait.ge [sflag:s18], $0x640  }
0x147: {  	[sflag:s18] =	ssyncset.done $0x0  }
0x148: {  	[sflag:s18] =	ssyncadd.s32 $0xFFFFF9C0  }
0x149: {  	_ =	swait.ge [sflag:s18], $0x640  }
0x14a: {  	[sflag:s18] =	ssyncset.done $0x0  }
0x14b: {  	[sflag:s18] =	ssyncadd.s32 $0xFFFFF9C0  }
0x14c: {  	_ =	swait.ge [sflag:s18], $0x640  }
0x14d: {  	[sflag:s18] =	ssyncset.done $0x0  }
0x14e: {  	s28 =	simm.s32 @!p0 $0x1;
	[sflag:s18] =	ssyncadd.s32 $0xFFFFF9C0  }
0x14f: {  	_ =	swait.ge @!p0 [sflag:s28], $0x640  }
0x150: {  	[sflag:s28] =	ssyncset.done @!p0 $0x0  }
0x151: {  	s29 =	simm.s32 @!p0 $0xC80;
	[sflag:s28] =	ssyncadd.s32 @!p0 $0xFFFFF9C0;
	s28 =	simm.s32 @!p0 $0x640  }
0x152: {  	[tilespmem:s29], [sflag:$0x3] =	stream.indirect.gather @!p0 [hbm4b:s4+s28], $0x20, s26, s28, $0xb8;
	[tilespmem:$0x19C80] =	vst v63  }
0x153: {  	_ =	swait.ge [sflag:s19], $0xC800  }
0x154: {  	s30 =	sadd.s32 $0x0, s22;
	s26 =	simm.s32 $0xD480;
	[sflag:s19] =	ssyncset.done $0x0  }
0x155: {  	s28 =	simm.s32 $0xC8;
	s29 =	simm.s32 $0xDAC0;
	[sflag:s19] =	ssyncadd.s32 $0xFFFF3800  }
.LBB2_7:
0x156: {  	[hbm4b:s30+s3] =	stream.linear.scatter [tilespmem:s26], [sflag:$0x6], $0x640, $0x38;
	[tilespmem:$0x19C80] =	vst v63  }
0x157: {  	s30 =	smov.u32 s28;
	s26 =	smov.u32 s29;
	p1 =	sne.s32 s28, $0x1838  }
.Ltmp4:
0x158: {  	s28 =	sadd.s32 $0xC8, s28;
	(pc) =	sbr.rel @p1 .LBB2_7-.Ltmp4, $2  }
0x159: {  	_ =	sdelay $0x2  }
0x15a: {  	s29 =	sadd.s32 $0x640, s29;
	s30 =	sadd.s32 s30, s22  }
.Ltmp5:
0x15b: {  	(pc) =	sbr.rel @p0 .LBB2_10-.Ltmp5, $2  }
0x15c: {  	_ =	sdelay $0x2  }
0x15d: {  	[hbm4b:s30+s3] =	stream.linear.scatter [tilespmem:s26], [sflag:$0x6], $0x640, $0x38;
	[tilespmem:$0x19C80] =	vst v63  }
0x15e: {  	s25 =	sadd.s32 s25, s8  }
0x15f: {  	s25 =	smul.u32 $0x32, s25  }
.Ltmp6:
0x160: {  	_ = 	snop;
	(pc) =	sbr.rel .LBB2_2-.Ltmp6, $4  }
0x161: {  	_ = 	snop  }
0x162: {  	s24 =	sadd.s32 $0x1, s24;
	s25 =	sshrl.u32 s25, $0x3  }
0x163: {  	s23 =	sadd.s32 $0x3200, s23;
	s22 =	sadd.s32 $0x3200, s22;
	s25 =	sadd.s32 s2, s25  }
0x164: {  	[tilespmem:s12], [sflag:$0x2] =	stream.linear.gather [hbm4b:s25+s3], $0x640, $0x38;
	[tilespmem:$0x19C80] =	vst v63  }
.LBB2_11:
0x165: {  	_ =	sfence.sel $0x180000  }
0x166: {  	[bflag:$0x0] =	sbarrier.arrive $0xFFFF  }
0x167: {  	p0 =	sne.s32 s1, $0x0;
	_ =	strace $0x90000047  }
0x168: {  	s0 =	sadd.s32 @!p0 $0x100000, s0;
	[bflag:$0x2] =	sbarrier.arrive $0xFFFF  }
0x169: {  	[sflag:s0] =	ssyncadd.tile.s32 @!p0 $0x1;
	_ =	shalt  }
.Lfunc_end2:
_tile_overlayer_lowered:
.L_overlay_start_2:
0x16a: {  	(tag) =	ssettag $0x2  }
0x16b: {  	s0 =	rddreg [dreg:$0x0];
	s2 =	stileid.u32  }
0x16c: {  	s1 =	rddreg [dreg:$0x1];
	p0 =	sne.s32 s2, $0x0  }
0x16d: {  	s3 =	rddreg [dreg:$0x2];
	[bflag:$0x3] =	sbarrier.arrive $0xFFFF;
	s2 =	simm.s32 @!p0 $0x1C07  }
0x16e: {  	[timem:s3], [sflag:s2] =	dma.local @!p0 [hbm:s0], s1  }
0x16f: {  	s0 =	simm.s32 @!p0 $0x7  }
0x170: {  	_ =	swait.ge @!p0 [sflag:s0], s1  }
0x171: {  	s1 =	ssub.s32 @!p0 $0x0, s1;
	[sflag:s0] =	ssyncset.done @!p0 $0x0  }
0x172: {  	[sflag:s0] =	ssyncadd.s32 @!p0 s1  }
0x173: {  	[bflag:$0x3] =	sbarrier.arrive $0xFFFF  }
0x174: {  	_ =	shalt  }

// kernel: sparse-core-data-format-call.cloned.1.call-start
scs
called_computation_lowered:
.L_overlay_start_0:
0x0: {  	s2 =	sld [smem:$0x3FD9]  }
0x1: {  	s3 =	sld [smem:$0x3FFE];
	_ =	sdelay $0x1  }
0x2: {  	s1 =	srdreg.scid  }
0x3: {  	s0 =	sand.u32 $0x1, s1  }
0x4: {  	s18 =	sshll.u32 s0, $0xA;
	s2 =	sadd.s32 s3, s2  }
0x5: {  	s2 =	sadd.s32 s2, s18  }
0x6: {  	[smem:$0x3FC6] =	sst s2  }
0x7: {  	_ = 	snop  }
0x8: {  	s2 =	sld [smem:$0x3FD0];
	(tm) =	ssettm $0x1  }
0x9: {  	s19 =	sld [smem:$0x3FFB];
	_ =	sdelay $0x3  }
0xa: {  	_ =	strace s19  }
0xb: {  	s3 =	sld [smem:$0x3FFC];
	_ =	sdelay $0x3  }
0xc: {  	_ =	strace s3  }
0xd: {  	s3 =	sld [smem:$0x3FFD];
	_ =	sdelay $0x3  }
0xe: {  	_ =	strace s3  }
0xf: {  	_ =	strace $0x8FFFFFFF  }
0x10: {  	s20 =	sld [smem:$0x3FDB];
	_ =	sdelay $0x1  }
0x11: {  	s4 =	simm.s32 $_scs_section_size  }
0x12: {  	s5 =	simm.s32 $_size__tile_overlayer_lowered;
	s6 =	simm.s32 $_tile_overlayer_lowered  }
0x13: {  	s23 =	simm.s32 $0x1BFF;
	s22 =	sshll.u32 s6, $0x1;
	s3 =	sadd.s32 s4, s20  }
0x14: {  	s7 =	simm.s32 $0x0;
	s21 =	sshll.u32 s5, $0x1;
	s5 =	sadd.s32 s22, s3  }
0x15: {  	[timem:s7], [sflag:s23] =	dma.local [hbm:s5], s21  }
0x16: {  	_ =	swait.ge [sflag:s23], s21  }
0x17: {  	s4 =	ssub.s32 $0x0, s21;
	[sflag:s23] =	ssyncset.done $0x0  }
0x18: {  	[sflag:s23] =	ssyncadd.s32 s4;
	_ =	sdelay $0x1  }
0x19: {  	s24 =	simm.s32 $0x1B8B  }
0x1a: {  	_ =	swait.ge [sflag:s24], $0x1  }
0x1b: {  	[sflag:s24] =	ssyncset.done $0x0  }
0x1c: {  	s26 =	simm.s32 $0x1B8E;
	s25 =	sld [smem:$0x3FFE];
	[sflag:s24] =	ssyncadd.s32 $0xFFFFFFFF  }
0x1d: {  	s27 =	simm.s32 $execute0_lowered;
	[smem:$0x3FD2] =	sst s26  }
0x1e: {  	s5 =	sshll.u32 s27, $0x1;
	_ =	strace $0x80000049;
	[dreg:$0x1] =	wrdreg $0xFFFFFFFF  }
0x1f: {  	s28 =	simm.s32 $_size_execute0_lowered;
	s3 =	sadd.s32 s3, s5;
	[dreg:$0x0] =	wrdreg $0x0  }
0x20: {  	s5 =	sshll.u32 s28, $0x1;
	[dreg:$0x2] =	wrdreg s3  }
0x21: {  	[dreg:$0x3] =	wrdreg s5  }
0x22: {  	[dreg:$0x4] =	wrdreg $0xC0  }
0x23: {  	_ =	task [dreg:s7], $0x5FFFF  }
0x24: {  	[dreg:$0x1] =	wrdreg $0xFFFFFFFF  }
0x25: {  	[dreg:$0x0] =	wrdreg $0x60  }
0x26: {  	[dreg:$0x2] =	wrdreg s25  }
0x27: {  	[dreg:$0x3] =	wrdreg s2  }
0x28: {  	[dreg:$0x4] =	wrdreg $0x9  }
0x29: {  	_ =	task.clear_ibuf [dreg:s7], $0x5FFFF;
	_ =	strace $0x90000049  }
0x2a: {  	s29 =	simm.s32 $0x9;
	_ =	strace $0x8000004B  }
0x2b: {  	_ =	swait.ge [sflag:s29], $0x1  }
0x2c: {  	[sflag:s29] =	ssyncadd.s32 $0xFFFFFFFF  }
0x2d: {  	_ =	strace $0x9000004B  }
0x2e: {  	_ =	sfence  }
0x2f: {  	s30 =	sld [smem:$0x0];
	_ =	sdelay $0x2  }
0x30: {  	s31 =	sshll.u32 s1, $0xD;
	s1 =	sshrl.u32 s1, $0x2  }
0x31: {  	s3 =	sand.u32 $0x4000, s31;
	s1 =	sadd.s32 s1, s30  }
0x32: {  	s0 =	sor.u32 s3, s0;
	s1 =	sshll.u32 s1, $0x11  }
0x33: {  	s0 =	sor.u32 s1, s0  }
0x34: {  	s0 =	sadd.s32 $0x8F2B, s0  }
0x35: {  	[sflag:s0] =	ssyncadd.remote.s32 $0x1  }
0x36: {  	_ =	sfence.sel $0xFFFF  }
0x37: {  	[dreg:$0x0] =	wrdreg $0xFFFFFFFF;
	(pc) =	sbr.abs _section_cstart, $3  }
0x38: {  	[dreg:$0x1] =	wrdreg $0xFFFFFFFF  }
0x39: {  	_ =	task.clear_ibuf [dreg:s7], $0x2FFFF;
	_ =	strace $0x9FFFFFFF  }
0x3a: {  	(tm) =	ssettm $0x7FFFFFFF  }
0x3b: {  	_ =	shalt  }
tec
execute0_lowered:
.L_overlay_start_1:
0x0: {  	(tag) =	ssettag $0x1  }
0x1: {  	s0 =	srdreg.scid  }
0x2: {  	s1 =	sshll.u32 s0, $0x4  }
0x3: {  	s0 =	stileid.u32;
	s1 =	sand.u32 $0x10, s1  }
0x4: {  	s1 =	sor.u32 s0, s1  }
0x5: {  	s6 =	rddreg [dreg:$0x0];
	s4 =	simm.s32 $0x1;
	s2 =	sshll.u32 s1, $0x7  }
0x6: {  	s7 =	simm.s32 $0x2;
	s12 =	simm.s32 $0x0;
	s1 =	ssub.s32 $0x4000, s2  }
0x7: {  	s8 =	simm.s32 $0x20000;
	s13 =	simm.s32 $0x0;
	s3 =	sand.u32 $0xF80, s1  }
0x8: {  	s9 =	simm.s32 $0x0;
	s5 =	sshrl.u32 s1, $0xC;
	p0 =	sne.s32 s3, $0x0  }
.Ltmp0:
0x9: {  	s1 =	rddreg [dreg:$0x2];
	s4 =	simm.s32 @!p0 $0x0;
	(pc) =	sbr.rel .LBB1_1-.Ltmp0, $4  }
0xa: {  	s11 =	simm.s32 $0x0;
	s3 =	rddreg [dreg:$0x1];
	s5 =	sadd.s32 s4, s5  }
0xb: {  	_ =	strace $0x8000004A;
	s4 =	simm.s32 $0x1;
	s5 =	smul.u32 $0x32, s5  }
0xc: {  	s6 =	sadd.s32 $0x800, s6;
	s10 =	smov.u32 s2;
	[sflag:s4] =	ssyncpa.u1 $0x0  }
0xd: {  	p0 =	por $0x0, $0x0;
	[sflag:s7] =	ssyncpa.u1 $0x0;
	s7 =	sor.u32 $0x1, s5  }
.LBB1_4:
0xe: {  	s16 =	sshll.u32 s13, $0x3;
	s17 =	sand.u32 $0x78, s13  }
0xf: {  	s30 =	sand.u32 $0xF800, s13;
	s12 =	sshll.u32 s12, $0x10;
	s16 =	sand.u32 $0x3C00, s16  }
0x10: {  	s31 =	sand.u32 $0x7, s13;
	s16 =	sor.u32 s17, s16;
	s17 =	sadd.s32 s3, s30  }
0x11: {  	s13 =	sshll.u32 s31, $0x12;
	s16 =	sshrl.u32 s16, $0x3;
	s12 =	sadd.s32 s12, s17  }
0x12: {  	[tilespmem:s15+$0x0 ss:$0x81] =	vst.msk $0xffff, v0;
	s13 =	sor.u32 $0x400, s13;
	s12 =	sadd.s32 s16, s12  }
0x13: {  	[hbm4b:s12+s13] =	stream.strided.scatter [tilespmem:s14], [sflag:$0x2], $0x1000, s8, s13, $0x20;
	[tilespmem:$0x4040] =	vst v63  }
.LBB1_5:
0x14: {  	s14 =	sadd.s32 $0x1, s9  }
0x15: {  	s12 =	sadd.s32 $0x1000, s10;
	s16 =	smov.u32 s10;
	p2 =	sgt.s32 s14, $0x31  }
0x16: {  	s16 =	smov.u32 @p2 s12  }
0x17: {  	s14 =	simm.s32 @p2 $0x0;
	p2 =	sgt.s32 s16, $0x3FFF  }
0x18: {  	s16 =	smov.u32 @p2 s2;
	p2 =	sne.s32 s11, s7  }
.Ltmp1:
0x19: {  	p1 =	slt.u32 s11, $0x2;
	(pc) =	sbr.rel @!p2 .LBB1_6-.Ltmp1, $4  }
0x1a: {  	s15 =	simm.s32 @!p1 $0x2  }
0x1b: {  	s13 =	smov.u32 s10;
	p0 =	por !p0, !p0;
	_ =	swait.ge @!p1 [sflag:s15], $0x1000  }
0x1c: {  	s12 =	smov.u32 s9;
	[sflag:s15] =	ssyncset.done @!p1 $0x0;
	s9 =	smov.u32 s14  }
0x1d: {  	s11 =	sadd.s32 $0x1, s11;
	[sflag:s15] =	ssyncadd.s32 @!p1 $0xFFFFF000;
	s10 =	smov.u32 s16  }
.LBB1_1:
0x1e: {  	p1 =	sge.u32 s11, s5  }
0x1f: {  	s14 =	sand.u32 @!p1 $0x1FFFFFF, s9  }
0x20: {  	s15 =	smulhi.u32 @!p1 $0x4924925, s14;
	_ =	sdelay $0x1  }
0x21: {  	s15 =	smul.u32 @!p1 $0x38, s15  }
0x22: {  	s16 =	sxor.u32 @!p1 $0xFFFFFFFF, s11;
	s17 =	smul.u32 @!p1 $0x380, s10  }
0x23: {  	s31 =	sadd.s32 $0xFFFFFFFF, s11;
	s16 =	sshll.u32 @!p1 s16, $0xC;
	s14 =	ssub.s32 @!p1 s14, s15  }
0x24: {  	s15 =	sand.u32 @!p1 $0x1000, s16;
	s16 =	sadd.s32 @!p1 s6, s17;
	s14 =	sshll.u32 @!p1 s14, $0x4  }
0x25: {  	s17 =	simm.s32 @!p1 $0x1C00;
	s14 =	sadd.s32 @!p1 s14, s16;
	s16 =	simm.s32 @!p1 $0x20  }
0x26: {  	[tilespmem:s15], [sflag:$0x1] =	stream.strided.gather @!p1 [hbm4b:s14+s16], $0x1000, s17, s16, $0x38;
	[tilespmem:$0x4040] =	vst v63  }
0x27: {  	p1 =	sge.u32 s31, s5  }
.Ltmp2:
0x28: {  	_ = 	snop;
	(pc) =	sbr.rel @p1 .LBB1_5-.Ltmp2, $1  }
0x29: {  	_ =	sdelay $0x3  }
0x2a: {  	s14 =	simm.s32 $0x1  }
0x2b: {  	_ =	swait.ge [sflag:s4], $0x1000;
	s14 =	simm.s32 @!p0 $0x0  }
0x2c: {  	[sflag:s4] =	ssyncset.done $0x0;
	s15 =	sshll.u32 s14, $0xC  }
0x2d: {  	[sflag:s4] =	ssyncadd.s32 $0xFFFFF000;
	s18 =	sor.u32 $0x10, s15  }
0x2e: {  	s14 =	smul.u32 $0x4080, s14;
	v1 =	vld [tilespmem:s18+$0x0]  }
0x2f: {  	s30 =	sand.u32 $0x1, s11;
	v0 =	vld [tilespmem:s18+$0xFFFFFFF0]  }
0x30: {  	s15 =	smul.u32 $0x4080, s30;
	s14 =	sshrl.u32 s14, $0x2  }
0x31: {  	s16 =	sor.u32 $0x2000, s14  }
0x32: {  	s31 =	sshrl.u32 s15, $0x2;
	s15 =	sadd.s32 $0x0, s16  }
0x33: {  	s17 =	simm.s32 $0x4;
	s18 =	sadd.s32 $0x20, s18;
	s14 =	sor.u32 $0x2000, s31;
	[tilespmem:s15+$0x810 ss:$0x81] =	vst.msk $0xffff, v1  }
.LBB1_3:
0x34: {  	v1 =	vld [tilespmem:s18+$0x0];
	p1 =	sne.s32 s17, $0x1FC;
	[tilespmem:s15+$0x0 ss:$0x81] =	vst.msk $0xffff, v0;
	s15 =	smov.u32 s17;
	s17 =	sadd.s32 $0x4, s17  }
.Ltmp3:
0x35: {  	v0 =	vld [tilespmem:s18+$0xFFFFFFF0];
	(pc) =	sbr.rel @p1 .LBB1_3-.Ltmp3, $4  }
0x36: {  	_ = 	snop  }
0x37: {  	s15 =	sshra.s32 s15, $0x2  }
0x38: {  	s15 =	sadd.s32 s15, s16  }
0x39: {  	s18 =	sadd.s32 $0x20, s18;
	[tilespmem:s15+$0x810 ss:$0x81] =	vst.msk $0xffff, v1  }
.Ltmp4:
0x3a: {  	_ = 	snop;
	(pc) =	sbr.rel .LBB1_4-.Ltmp4, $1  }
0x3b: {  	_ =	sdelay $0x3  }
.LBB1_6:
0x3c: {  	_ =	sfence.sel $0x180000  }
0x3d: {  	s2 =	simm.s32 $0x1;
	[bflag:$0x0] =	sbarrier.arrive $0xFFFF  }
0x3e: {  	s31 =	simm.s32 $0x2;
	[sflag:s2] =	ssyncpa.u1 $0x1  }
0x3f: {  	[sflag:s31] =	ssyncpa.u1 $0x1  }
0x40: {  	p0 =	sne.s32 s0, $0x0;
	_ =	strace $0x9000004A  }
0x41: {  	s0 =	sadd.s32 @!p0 $0x100000, s1;
	[bflag:$0x2] =	sbarrier.arrive $0xFFFF  }
0x42: {  	[sflag:s0] =	ssyncadd.tile.s32 @!p0 $0x1;
	_ =	shalt  }
.Lfunc_end1:
_tile_overlayer_lowered:
.L_overlay_start_2:
0x43: {  	(tag) =	ssettag $0x2  }
0x44: {  	s0 =	rddreg [dreg:$0x0];
	s2 =	stileid.u32  }
0x45: {  	s1 =	rddreg [dreg:$0x1];
	p0 =	sne.s32 s2, $0x0  }
0x46: {  	s3 =	rddreg [dreg:$0x2];
	[bflag:$0x3] =	sbarrier.arrive $0xFFFF;
	s2 =	simm.s32 @!p0 $0x1C01  }
0x47: {  	[timem:s3], [sflag:s2] =	dma.local @!p0 [hbm:s0], s1  }
0x48: {  	s0 =	simm.s32 @!p0 $0x1  }
0x49: {  	_ =	swait.ge @!p0 [sflag:s0], s1  }
0x4a: {  	s1 =	ssub.s32 @!p0 $0x0, s1;
	[sflag:s0] =	ssyncset.done @!p0 $0x0  }
0x4b: {  	[sflag:s0] =	ssyncadd.s32 @!p0 s1  }
0x4c: {  	[bflag:$0x3] =	sbarrier.arrive $0xFFFF  }
0x4d: {  	_ =	shalt  }

</sc_bundles>
